<compile_context>
chip_gen: v7x
topology: tpu7x:2x2x1
jax: 0.10.2.dev20260603
libtpu: 0.0.44.dev20260713+nightly
codegen_flags: <defaults>
</compile_context>

<pallas_src>
import functools

import jax
import jax.numpy as jnp
from jax import lax
from jax.experimental import pallas as pl
from jax.experimental.pallas import tpu as pltpu
from jax.experimental.pallas import tpu_sc as plsc

N0, N1, N2 = 10000, 5000, 1000
D = 128
NC, NS, L = 2, 16, 16
NW = NC * NS
TRASH = N2
AGG_ROWS = 1024
RPT = AGG_ROWS // NS


def _fill2d(ref, val):
    rows, cols = ref.shape

    def body(i, carry):
        for j in range(cols // L):
            ref[i, pl.ds(j * L, L)] = jnp.full((L,), val, jnp.float32)
        return carry

    lax.fori_loop(0, rows, body, 0)


def _make_sc_aggregate(e_pad: int, batch: int, filt: bool):
    ept = e_pad // NW
    nb = ept // batch
    elen = ept + batch + L

    mesh = plsc.VectorSubcoreMesh(core_axis_name="c", subcore_axis_name="s")

    @functools.partial(
        pl.kernel,
        mesh=mesh,
        out_type=(
            jax.ShapeDtypeStruct((NC, AGG_ROWS, D), jnp.float32),
            jax.ShapeDtypeStruct((NC, AGG_ROWS, D), jnp.float32),
        ),
        scratch_types=[
            pltpu.VMEM((elen,), jnp.int32),
            pltpu.VMEM((elen,), jnp.int32),
            pltpu.VMEM((elen,), jnp.int32),
            pltpu.VMEM((batch, D), jnp.float32),
            pltpu.VMEM((batch, D), jnp.float32),
            pltpu.VMEM((RPT, D), jnp.float32),
            pltpu.VMEM_SHARED((AGG_ROWS, D), jnp.float32),
            pltpu.VMEM_SHARED((AGG_ROWS, D), jnp.float32),
            pltpu.SemaphoreType.DMA,
        ],
    )
    def sc_agg(table_hbm, edges_hbm, aggr_out, deg_out,
               src_v, dst_v, pk_v, gat, ones_blk, stage_a,
               aggr_sh, deg_sh, sem):
        c = lax.axis_index("c")
        s = lax.axis_index("s")
        wid = s * NC + c
        base = wid * ept

        _fill2d(stage_a, 0.0)
        pltpu.sync_copy(stage_a, aggr_sh.at[pl.ds(s * RPT, RPT)])
        pltpu.sync_copy(stage_a, deg_sh.at[pl.ds(s * RPT, RPT)])
        _fill2d(ones_blk, 1.0)

        pltpu.sync_copy(edges_hbm.at[0, pl.ds(base, ept)],
                        src_v.at[pl.ds(0, ept)])
        pltpu.sync_copy(edges_hbm.at[1, pl.ds(base, ept)],
                        dst_v.at[pl.ds(0, ept)])

        if filt:
            def pbody(i, carry):
                vs = src_v[pl.ds(i * L, L)]
                vd = dst_v[pl.ds(i * L, L)]
                pk_v[pl.ds(i * L, L)] = vs * 8192 + vd
                return carry

            lax.fori_loop(0, ept // L, pbody, 0)

            def fbody(i, cnt):
                vp = pk_v[pl.ds(i * L, L)]
                for t in range(L):
                    p = vp[t]
                    src_v[pl.ds(cnt, L)] = jnp.full((L,), p, jnp.int32)
                    cnt = cnt + jnp.where((p & 8191) < N2, 1, 0).astype(
                        jnp.int32)
                return cnt

            cnt = lax.fori_loop(0, ept // L, fbody, jnp.int32(0))
            tp = jnp.full((L,), TRASH, jnp.int32)
            for t in range(batch // L + 1):
                src_v[pl.ds(cnt + t * L, L)] = tp
            nbt = (cnt + batch - 1) // batch

            def ubody(i, carry):
                vp = src_v[pl.ds(i * L, L)]
                src_v[pl.ds(i * L, L)] = vp >> 13
                dst_v[pl.ds(i * L, L)] = vp & 8191
                return carry

            lax.fori_loop(0, elen // L, ubody, 0)
        else:
            nbt = nb

        plsc.subcore_barrier()

        def bbody(j, carry):
            bs = src_v.at[pl.ds(j * batch, batch)]
            bd = dst_v.at[pl.ds(j * batch, batch)]
            cp = pltpu.async_copy(table_hbm.at[bs], gat, sem)
            pltpu.sync_copy(ones_blk, deg_sh.at[bd], add=True)
            cp.wait()
            pltpu.sync_copy(gat, aggr_sh.at[bd], add=True)
            return carry

        lax.fori_loop(0, nbt, bbody, 0)

        plsc.subcore_barrier()

        pltpu.sync_copy(aggr_sh.at[pl.ds(s * RPT, RPT)], stage_a)
        pltpu.sync_copy(stage_a, aggr_out.at[c, pl.ds(s * RPT, RPT)])
        pltpu.sync_copy(deg_sh.at[pl.ds(s * RPT, RPT)], stage_a)
        pltpu.sync_copy(stage_a, deg_out.at[c, pl.ds(s * RPT, RPT)])

    return sc_agg


def _make_tc_linear(relu: bool):

    def body(pa_ref, pd_ref, xd_ref, wl_ref, wr_ref, b_ref, out_ref):
        a = pa_ref[0, :N2, :] + pa_ref[1, :N2, :]
        deg = pd_ref[0, :N2, :1] + pd_ref[1, :N2, :1]
        a = a / jnp.maximum(deg, 1.0)
        h = lax.dot_general(a, wl_ref[...], (((1,), (1,)), ((), ())),
                            preferred_element_type=jnp.float32)
        h = h + b_ref[...]
        h = h + lax.dot_general(xd_ref[...], wr_ref[...],
                                (((1,), (1,)), ((), ())),
                                preferred_element_type=jnp.float32)
        if relu:
            h = jnp.maximum(h, 0.0)
        out_ref[...] = h

    return pl.pallas_call(
        body, out_shape=jax.ShapeDtypeStruct((N2, D), jnp.float32))


_E0_PAD = 327680
_E1_PAD = 81920
_sc_agg0 = _make_sc_aggregate(_E0_PAD, 256, filt=True)
_sc_agg1 = _make_sc_aggregate(_E1_PAD, 256, filt=False)
_tc_lin0 = _make_tc_linear(relu=True)
_tc_lin1 = _make_tc_linear(relu=False)


def _pad_edges(ei, e_pad):
    e = ei.shape[1]
    pad = jnp.stack([jnp.zeros((e_pad - e,), jnp.int32),
                     jnp.full((e_pad - e,), TRASH, jnp.int32)])
    return jnp.concatenate([ei, pad], axis=1)


def kernel(x, edge_index0, edge_index1, W_l0, b_l0, W_r0, W_l1, b_l1, W_r1):
    ei0 = _pad_edges(edge_index0, _E0_PAD)
    ei1 = _pad_edges(edge_index1, _E1_PAD)

    aggr0, deg0 = _sc_agg0(x, ei0)
    h = _tc_lin0(aggr0, deg0, x[:N2], W_l0, W_r0, b_l0.reshape(1, D))
    aggr1, deg1 = _sc_agg1(h, ei1)
    out = _tc_lin1(aggr1, deg1, h, W_l1, W_r1, b_l1.reshape(1, D))
    return out

# --- scband reference (transcript-rebuilt; emitter-appended) ---
"""Pipeline reference for scband-sage-3547642987366 (READ-ONLY COPY).

The authoritative reference and input builder live on the scoring server;
editing this copy changes nothing except your own understanding.
"""

import jax, jax.numpy as jnp
import numpy as np

N0, N1, N2 = 10000, 5000, 1000
E0, E1 = 320000, 80000
D_IN, D_H, D_OUT = 128, 128, 128


def setup_inputs(seed: int = 0) -> dict:
    key = jax.random.key(seed)
    ks = jax.random.split(key, 10)
    x = jax.random.normal(ks[0], (N0, D_IN), dtype=jnp.float32)
    edge_index0 = jax.random.randint(ks[1], (2, E0), 0, N1, dtype=jnp.int32)
    edge_index1 = jax.random.randint(ks[2], (2, E1), 0, N2, dtype=jnp.int32)
    s0 = 1.0 / np.sqrt(D_IN)
    s1 = 1.0 / np.sqrt(D_H)
    W_l0 = jax.random.normal(ks[3], (D_H, D_IN), dtype=jnp.float32) * s0
    b_l0 = jnp.zeros((D_H,), dtype=jnp.float32)
    W_r0 = jax.random.normal(ks[4], (D_H, D_IN), dtype=jnp.float32) * s0
    W_l1 = jax.random.normal(ks[5], (D_OUT, D_H), dtype=jnp.float32) * s1
    b_l1 = jnp.zeros((D_OUT,), dtype=jnp.float32)
    W_r1 = jax.random.normal(ks[6], (D_OUT, D_H), dtype=jnp.float32) * s1
    return {"x": x, "edge_index0": edge_index0, "edge_index1": edge_index1,
            "W_l0": W_l0, "b_l0": b_l0, "W_r0": W_r0,
            "W_l1": W_l1, "b_l1": b_l1, "W_r1": W_r1}


def _sage_conv(x_src, x_dst, edge_index, W_l, b_l, W_r):
    # PyG SAGEConv (mean aggregation, bipartite):
    # out = lin_l(mean_{j in N(i)} x_src[j]) + lin_r(x_dst[i])
    row = edge_index[0]
    col = edge_index[1]
    num_dst = x_dst.shape[0]
    msgs = jnp.take(x_src, row, axis=0)                       # gather
    aggr = jax.ops.segment_sum(msgs, col, num_segments=num_dst)  # scatter-add
    deg = jax.ops.segment_sum(jnp.ones((row.shape[0],), jnp.float32), col, num_segments=num_dst)
    aggr = aggr / jnp.clip(deg, 1.0)[:, None]
    return aggr @ W_l.T + b_l + x_dst @ W_r.T


def reference(x, edge_index0, edge_index1, W_l0, b_l0, W_r0, W_l1, b_l1, W_r1):
    # layer 0: bipartite (x, x[:N1])
    x_target0 = x[:N1]
    h = _sage_conv(x, x_target0, edge_index0, W_l0, b_l0, W_r0)
    h = jax.nn.relu(h)
    # layer 1: bipartite (h, h[:N2])
    x_target1 = h[:N2]
    out = _sage_conv(h, x_target1, edge_index1, W_l1, b_l1, W_r1)
    return out

if __name__ == "__main__":
    import jax
    _d = setup_inputs()
    print(jax.jit(kernel)(*tuple(_d.values())))

</pallas_src>

<mosaic_0001>
#map = affine_map<(d0, d1) -> (0, 0)>
#map1 = affine_map<(d0, d1) -> (0, 0, 0)>
module attributes {stable_mosaic.version = 14 : i64} {
  func.func @sc_agg(%arg0: i32, %arg1: i32, %arg2: memref<1000x128xf32, #tpu.memory_space<hbm>>, %arg3: memref<2x81920xi32, #tpu.memory_space<hbm>>, %arg4: memref<2x1024x128xf32, #tpu.memory_space<hbm>>, %arg5: memref<2x1024x128xf32, #tpu.memory_space<hbm>>, %arg6: memref<2832xi32, #tpu.memory_space<vmem>>, %arg7: memref<2832xi32, #tpu.memory_space<vmem>>, %arg8: memref<2832xi32, #tpu.memory_space<vmem>>, %arg9: memref<256x128xf32, #tpu.memory_space<vmem>>, %arg10: memref<256x128xf32, #tpu.memory_space<vmem>>, %arg11: memref<64x128xf32, #tpu.memory_space<vmem>>, %arg12: memref<1024x128xf32, #tpu.memory_space<vmem_shared>>, %arg13: memref<1024x128xf32, #tpu.memory_space<vmem_shared>>, %arg14: memref<!tpu.dma_semaphore, #tpu.memory_space<semaphore_mem>>) attributes {dimension_semantics = [#tpu.dimension_semantics<core_parallel>, #tpu.dimension_semantics<subcore_parallel>], iteration_bounds = array<i64: 2, 16>, scalar_prefetch = 0 : i64, scratch_operands = 9 : i64, tpu.core_type = #tpu.core_type<sc_vector_subcore>, window_params = [{transform_indices = #map}, {transform_indices = #map}, {transform_indices = #map1}, {transform_indices = #map1}]} {
    %mul3A = arith.constant 2 : i32
    %mul3A_0 = arith.muli %arg1, %mul3A : i32
    %add3A = arith.addi %mul3A_0, %arg0 : i32
    %mul3A_1 = arith.constant 2560 : i32
    %mul3A_2 = arith.muli %add3A, %mul3A_1 : i32
    %scan3A = arith.constant 0 : i32
    %scan3A_3 = arith.constant 0 : i32
    %scan3A_4 = arith.constant 64 : i32
    %scan3A_5 = arith.addi %scan3A_3, %scan3A_4 : i32
    %scan3A_6 = arith.constant 1 : i32
    scf.for %scan3A_34 = %scan3A_3 to %scan3A_5 step %scan3A_6  : i32 {
      %broadcast_in_dim3A = arith.constant 0.000000e+00 : f32
      %broadcast_in_dim3A_35 = vector.broadcast %broadcast_in_dim3A : f32 to vector<16xf32>
      %swap3A = arith.index_cast %scan3A_34 : i32 to index
      %swap3A_36 = arith.constant 0 : index
      %swap3A_37 = tpu.vector_load %arg11[%swap3A, %swap3A_36] {strides = array<i32>} : memref<64x128xf32, #tpu.memory_space<vmem>>, vector<1x16xf32>,
      %swap3A_38 = vector.shape_cast %swap3A_37 : vector<1x16xf32> to vector<16xf32>
      %swap3A_39 = vector.shape_cast %broadcast_in_dim3A_35 : vector<16xf32> to vector<1x16xf32>
      tpu.vector_store %arg11[%swap3A, %swap3A_36], %swap3A_39 {strides = array<i32>} : memref<64x128xf32, #tpu.memory_space<vmem>>, vector<1x16xf32>,
      %broadcast_in_dim3A_40 = arith.constant 0.000000e+00 : f32
      %broadcast_in_dim3A_41 = vector.broadcast %broadcast_in_dim3A_40 : f32 to vector<16xf32>
      %swap3A_42 = arith.index_cast %scan3A_34 : i32 to index
      %swap3A_43 = arith.constant 16 : index
      %swap3A_44 = tpu.vector_load %arg11[%swap3A_42, %swap3A_43] {strides = array<i32>} : memref<64x128xf32, #tpu.memory_space<vmem>>, vector<1x16xf32>,
      %swap3A_45 = vector.shape_cast %swap3A_44 : vector<1x16xf32> to vector<16xf32>
      %swap3A_46 = vector.shape_cast %broadcast_in_dim3A_41 : vector<16xf32> to vector<1x16xf32>
      tpu.vector_store %arg11[%swap3A_42, %swap3A_43], %swap3A_46 {strides = array<i32>} : memref<64x128xf32, #tpu.memory_space<vmem>>, vector<1x16xf32>,
      %broadcast_in_dim3A_47 = arith.constant 0.000000e+00 : f32
      %broadcast_in_dim3A_48 = vector.broadcast %broadcast_in_dim3A_47 : f32 to vector<16xf32>
      %swap3A_49 = arith.index_cast %scan3A_34 : i32 to index
      %swap3A_50 = arith.constant 32 : index
      %swap3A_51 = tpu.vector_load %arg11[%swap3A_49, %swap3A_50] {strides = array<i32>} : memref<64x128xf32, #tpu.memory_space<vmem>>, vector<1x16xf32>,
      %swap3A_52 = vector.shape_cast %swap3A_51 : vector<1x16xf32> to vector<16xf32>
      %swap3A_53 = vector.shape_cast %broadcast_in_dim3A_48 : vector<16xf32> to vector<1x16xf32>
      tpu.vector_store %arg11[%swap3A_49, %swap3A_50], %swap3A_53 {strides = array<i32>} : memref<64x128xf32, #tpu.memory_space<vmem>>, vector<1x16xf32>,
      %broadcast_in_dim3A_54 = arith.constant 0.000000e+00 : f32
      %broadcast_in_dim3A_55 = vector.broadcast %broadcast_in_dim3A_54 : f32 to vector<16xf32>
      %swap3A_56 = arith.index_cast %scan3A_34 : i32 to index
      %swap3A_57 = arith.constant 48 : index
      %swap3A_58 = tpu.vector_load %arg11[%swap3A_56, %swap3A_57] {strides = array<i32>} : memref<64x128xf32, #tpu.memory_space<vmem>>, vector<1x16xf32>,
      %swap3A_59 = vector.shape_cast %swap3A_58 : vector<1x16xf32> to vector<16xf32>
      %swap3A_60 = vector.shape_cast %broadcast_in_dim3A_55 : vector<16xf32> to vector<1x16xf32>
      tpu.vector_store %arg11[%swap3A_56, %swap3A_57], %swap3A_60 {strides = array<i32>} : memref<64x128xf32, #tpu.memory_space<vmem>>, vector<1x16xf32>,
      %broadcast_in_dim3A_61 = arith.constant 0.000000e+00 : f32
      %broadcast_in_dim3A_62 = vector.broadcast %broadcast_in_dim3A_61 : f32 to vector<16xf32>
      %swap3A_63 = arith.index_cast %scan3A_34 : i32 to index
      %swap3A_64 = arith.constant 64 : index
      %swap3A_65 = tpu.vector_load %arg11[%swap3A_63, %swap3A_64] {strides = array<i32>} : memref<64x128xf32, #tpu.memory_space<vmem>>, vector<1x16xf32>,
      %swap3A_66 = vector.shape_cast %swap3A_65 : vector<1x16xf32> to vector<16xf32>
      %swap3A_67 = vector.shape_cast %broadcast_in_dim3A_62 : vector<16xf32> to vector<1x16xf32>
      tpu.vector_store %arg11[%swap3A_63, %swap3A_64], %swap3A_67 {strides = array<i32>} : memref<64x128xf32, #tpu.memory_space<vmem>>, vector<1x16xf32>,
      %broadcast_in_dim3A_68 = arith.constant 0.000000e+00 : f32
      %broadcast_in_dim3A_69 = vector.broadcast %broadcast_in_dim3A_68 : f32 to vector<16xf32>
      %swap3A_70 = arith.index_cast %scan3A_34 : i32 to index
      %swap3A_71 = arith.constant 80 : index
      %swap3A_72 = tpu.vector_load %arg11[%swap3A_70, %swap3A_71] {strides = array<i32>} : memref<64x128xf32, #tpu.memory_space<vmem>>, vector<1x16xf32>,
      %swap3A_73 = vector.shape_cast %swap3A_72 : vector<1x16xf32> to vector<16xf32>
      %swap3A_74 = vector.shape_cast %broadcast_in_dim3A_69 : vector<16xf32> to vector<1x16xf32>
      tpu.vector_store %arg11[%swap3A_70, %swap3A_71], %swap3A_74 {strides = array<i32>} : memref<64x128xf32, #tpu.memory_space<vmem>>, vector<1x16xf32>,
      %broadcast_in_dim3A_75 = arith.constant 0.000000e+00 : f32
      %broadcast_in_dim3A_76 = vector.broadcast %broadcast_in_dim3A_75 : f32 to vector<16xf32>
      %swap3A_77 = arith.index_cast %scan3A_34 : i32 to index
      %swap3A_78 = arith.constant 96 : index
      %swap3A_79 = tpu.vector_load %arg11[%swap3A_77, %swap3A_78] {strides = array<i32>} : memref<64x128xf32, #tpu.memory_space<vmem>>, vector<1x16xf32>,
      %swap3A_80 = vector.shape_cast %swap3A_79 : vector<1x16xf32> to vector<16xf32>
      %swap3A_81 = vector.shape_cast %broadcast_in_dim3A_76 : vector<16xf32> to vector<1x16xf32>
      tpu.vector_store %arg11[%swap3A_77, %swap3A_78], %swap3A_81 {strides = array<i32>} : memref<64x128xf32, #tpu.memory_space<vmem>>, vector<1x16xf32>,
      %broadcast_in_dim3A_82 = arith.constant 0.000000e+00 : f32
      %broadcast_in_dim3A_83 = vector.broadcast %broadcast_in_dim3A_82 : f32 to vector<16xf32>
      %swap3A_84 = arith.index_cast %scan3A_34 : i32 to index
      %swap3A_85 = arith.constant 112 : index
      %swap3A_86 = tpu.vector_load %arg11[%swap3A_84, %swap3A_85] {strides = array<i32>} : memref<64x128xf32, #tpu.memory_space<vmem>>, vector<1x16xf32>,
      %swap3A_87 = vector.shape_cast %swap3A_86 : vector<1x16xf32> to vector<16xf32>
      %swap3A_88 = vector.shape_cast %broadcast_in_dim3A_83 : vector<16xf32> to vector<1x16xf32>
      tpu.vector_store %arg11[%swap3A_84, %swap3A_85], %swap3A_88 {strides = array<i32>} : memref<64x128xf32, #tpu.memory_space<vmem>>, vector<1x16xf32>,
    }
    %scan3A_7 = arith.constant 64 : i32
    %mul3A_8 = arith.constant 64 : i32
    %mul3A_9 = arith.muli %arg1, %mul3A_8 : i32
    "tpu.region"() ({
      %run_scoped3A_34 = tpu.sem_alloc : memref<!tpu.dma_semaphore, #tpu.memory_space<semaphore_mem>>
      %dma_start3A = arith.constant 0 : i32
      %dma_start3A_35 = tpu.memref_slice %arg12[%mul3A_9, %dma_start3A] : memref<1024x128xf32, #tpu.memory_space<vmem_shared>> -> memref<64x128xf32, #tpu.memory_space<vmem_shared>>
      %dma_start3A_36 = arith.constant 0 : i32
      %dma_start3A_37 = tpu.memref_slice %arg12[%mul3A_9, %dma_start3A_36] : memref<1024x128xf32, #tpu.memory_space<vmem_shared>> -> memref<64x128xf32, #tpu.memory_space<vmem_shared>>
      tpu.enqueue_dma source(%arg11 : memref<64x128xf32, #tpu.memory_space<vmem>>) target(%dma_start3A_37 : memref<64x128xf32, #tpu.memory_space<vmem_shared>>) target_semaphore(%run_scoped3A_34 : memref<!tpu.dma_semaphore, #tpu.memory_space<semaphore_mem>>)
      %dma_wait3A = arith.constant 0 : i32
      %dma_wait3A_38 = tpu.memref_slice %arg12[%mul3A_9, %dma_wait3A] : memref<1024x128xf32, #tpu.memory_space<vmem_shared>> -> memref<64x128xf32, #tpu.memory_space<vmem_shared>>
      %dma_wait3A_39 = arith.constant 0 : i32
      %dma_wait3A_40 = tpu.memref_slice %arg12[%mul3A_9, %dma_wait3A_39] : memref<1024x128xf32, #tpu.memory_space<vmem_shared>> -> memref<64x128xf32, #tpu.memory_space<vmem_shared>>
      tpu.wait_dma2 semaphore(%run_scoped3A_34 : memref<!tpu.dma_semaphore, #tpu.memory_space<semaphore_mem>>) src(%arg11 : memref<64x128xf32, #tpu.memory_space<vmem>>) dst(%dma_wait3A_40 : memref<64x128xf32, #tpu.memory_space<vmem_shared>>)
      tpu.yield
    }) : () -> ()
    %mul3A_10 = arith.constant 64 : i32
    %mul3A_11 = arith.muli %arg1, %mul3A_10 : i32
    "tpu.region"() ({
      %run_scoped3A_34 = tpu.sem_alloc : memref<!tpu.dma_semaphore, #tpu.memory_space<semaphore_mem>>
      %dma_start3A = arith.constant 0 : i32
      %dma_start3A_35 = tpu.memref_slice %arg13[%mul3A_11, %dma_start3A] : memref<1024x128xf32, #tpu.memory_space<vmem_shared>> -> memref<64x128xf32, #tpu.memory_space<vmem_shared>>
      %dma_start3A_36 = arith.constant 0 : i32
      %dma_start3A_37 = tpu.memref_slice %arg13[%mul3A_11, %dma_start3A_36] : memref<1024x128xf32, #tpu.memory_space<vmem_shared>> -> memref<64x128xf32, #tpu.memory_space<vmem_shared>>
      tpu.enqueue_dma source(%arg11 : memref<64x128xf32, #tpu.memory_space<vmem>>) target(%dma_start3A_37 : memref<64x128xf32, #tpu.memory_space<vmem_shared>>) target_semaphore(%run_scoped3A_34 : memref<!tpu.dma_semaphore, #tpu.memory_space<semaphore_mem>>)
      %dma_wait3A = arith.constant 0 : i32
      %dma_wait3A_38 = tpu.memref_slice %arg13[%mul3A_11, %dma_wait3A] : memref<1024x128xf32, #tpu.memory_space<vmem_shared>> -> memref<64x128xf32, #tpu.memory_space<vmem_shared>>
      %dma_wait3A_39 = arith.constant 0 : i32
      %dma_wait3A_40 = tpu.memref_slice %arg13[%mul3A_11, %dma_wait3A_39] : memref<1024x128xf32, #tpu.memory_space<vmem_shared>> -> memref<64x128xf32, #tpu.memory_space<vmem_shared>>
      tpu.wait_dma2 semaphore(%run_scoped3A_34 : memref<!tpu.dma_semaphore, #tpu.memory_space<semaphore_mem>>) src(%arg11 : memref<64x128xf32, #tpu.memory_space<vmem>>) dst(%dma_wait3A_40 : memref<64x128xf32, #tpu.memory_space<vmem_shared>>)
      tpu.yield
    }) : () -> ()
    %scan3A_12 = arith.constant 0 : i32
    %scan3A_13 = arith.constant 0 : i32
    %scan3A_14 = arith.constant 256 : i32
    %scan3A_15 = arith.addi %scan3A_13, %scan3A_14 : i32
    %scan3A_16 = arith.constant 1 : i32
    scf.for %scan3A_34 = %scan3A_13 to %scan3A_15 step %scan3A_16  : i32 {
      %broadcast_in_dim3A = arith.constant 1.000000e+00 : f32
      %broadcast_in_dim3A_35 = vector.broadcast %broadcast_in_dim3A : f32 to vector<16xf32>
      %swap3A = arith.index_cast %scan3A_34 : i32 to index
      %swap3A_36 = arith.constant 0 : index
      %swap3A_37 = tpu.vector_load %arg10[%swap3A, %swap3A_36] {strides = array<i32>} : memref<256x128xf32, #tpu.memory_space<vmem>>, vector<1x16xf32>,
      %swap3A_38 = vector.shape_cast %swap3A_37 : vector<1x16xf32> to vector<16xf32>
      %swap3A_39 = vector.shape_cast %broadcast_in_dim3A_35 : vector<16xf32> to vector<1x16xf32>
      tpu.vector_store %arg10[%swap3A, %swap3A_36], %swap3A_39 {strides = array<i32>} : memref<256x128xf32, #tpu.memory_space<vmem>>, vector<1x16xf32>,
      %broadcast_in_dim3A_40 = arith.constant 1.000000e+00 : f32
      %broadcast_in_dim3A_41 = vector.broadcast %broadcast_in_dim3A_40 : f32 to vector<16xf32>
      %swap3A_42 = arith.index_cast %scan3A_34 : i32 to index
      %swap3A_43 = arith.constant 16 : index
      %swap3A_44 = tpu.vector_load %arg10[%swap3A_42, %swap3A_43] {strides = array<i32>} : memref<256x128xf32, #tpu.memory_space<vmem>>, vector<1x16xf32>,
      %swap3A_45 = vector.shape_cast %swap3A_44 : vector<1x16xf32> to vector<16xf32>
      %swap3A_46 = vector.shape_cast %broadcast_in_dim3A_41 : vector<16xf32> to vector<1x16xf32>
      tpu.vector_store %arg10[%swap3A_42, %swap3A_43], %swap3A_46 {strides = array<i32>} : memref<256x128xf32, #tpu.memory_space<vmem>>, vector<1x16xf32>,
      %broadcast_in_dim3A_47 = arith.constant 1.000000e+00 : f32
      %broadcast_in_dim3A_48 = vector.broadcast %broadcast_in_dim3A_47 : f32 to vector<16xf32>
      %swap3A_49 = arith.index_cast %scan3A_34 : i32 to index
      %swap3A_50 = arith.constant 32 : index
      %swap3A_51 = tpu.vector_load %arg10[%swap3A_49, %swap3A_50] {strides = array<i32>} : memref<256x128xf32, #tpu.memory_space<vmem>>, vector<1x16xf32>,
      %swap3A_52 = vector.shape_cast %swap3A_51 : vector<1x16xf32> to vector<16xf32>
      %swap3A_53 = vector.shape_cast %broadcast_in_dim3A_48 : vector<16xf32> to vector<1x16xf32>
      tpu.vector_store %arg10[%swap3A_49, %swap3A_50], %swap3A_53 {strides = array<i32>} : memref<256x128xf32, #tpu.memory_space<vmem>>, vector<1x16xf32>,
      %broadcast_in_dim3A_54 = arith.constant 1.000000e+00 : f32
      %broadcast_in_dim3A_55 = vector.broadcast %broadcast_in_dim3A_54 : f32 to vector<16xf32>
      %swap3A_56 = arith.index_cast %scan3A_34 : i32 to index
      %swap3A_57 = arith.constant 48 : index
      %swap3A_58 = tpu.vector_load %arg10[%swap3A_56, %swap3A_57] {strides = array<i32>} : memref<256x128xf32, #tpu.memory_space<vmem>>, vector<1x16xf32>,
      %swap3A_59 = vector.shape_cast %swap3A_58 : vector<1x16xf32> to vector<16xf32>
      %swap3A_60 = vector.shape_cast %broadcast_in_dim3A_55 : vector<16xf32> to vector<1x16xf32>
      tpu.vector_store %arg10[%swap3A_56, %swap3A_57], %swap3A_60 {strides = array<i32>} : memref<256x128xf32, #tpu.memory_space<vmem>>, vector<1x16xf32>,
      %broadcast_in_dim3A_61 = arith.constant 1.000000e+00 : f32
      %broadcast_in_dim3A_62 = vector.broadcast %broadcast_in_dim3A_61 : f32 to vector<16xf32>
      %swap3A_63 = arith.index_cast %scan3A_34 : i32 to index
      %swap3A_64 = arith.constant 64 : index
      %swap3A_65 = tpu.vector_load %arg10[%swap3A_63, %swap3A_64] {strides = array<i32>} : memref<256x128xf32, #tpu.memory_space<vmem>>, vector<1x16xf32>,
      %swap3A_66 = vector.shape_cast %swap3A_65 : vector<1x16xf32> to vector<16xf32>
      %swap3A_67 = vector.shape_cast %broadcast_in_dim3A_62 : vector<16xf32> to vector<1x16xf32>
      tpu.vector_store %arg10[%swap3A_63, %swap3A_64], %swap3A_67 {strides = array<i32>} : memref<256x128xf32, #tpu.memory_space<vmem>>, vector<1x16xf32>,
      %broadcast_in_dim3A_68 = arith.constant 1.000000e+00 : f32
      %broadcast_in_dim3A_69 = vector.broadcast %broadcast_in_dim3A_68 : f32 to vector<16xf32>
      %swap3A_70 = arith.index_cast %scan3A_34 : i32 to index
      %swap3A_71 = arith.constant 80 : index
      %swap3A_72 = tpu.vector_load %arg10[%swap3A_70, %swap3A_71] {strides = array<i32>} : memref<256x128xf32, #tpu.memory_space<vmem>>, vector<1x16xf32>,
      %swap3A_73 = vector.shape_cast %swap3A_72 : vector<1x16xf32> to vector<16xf32>
      %swap3A_74 = vector.shape_cast %broadcast_in_dim3A_69 : vector<16xf32> to vector<1x16xf32>
      tpu.vector_store %arg10[%swap3A_70, %swap3A_71], %swap3A_74 {strides = array<i32>} : memref<256x128xf32, #tpu.memory_space<vmem>>, vector<1x16xf32>,
      %broadcast_in_dim3A_75 = arith.constant 1.000000e+00 : f32
      %broadcast_in_dim3A_76 = vector.broadcast %broadcast_in_dim3A_75 : f32 to vector<16xf32>
      %swap3A_77 = arith.index_cast %scan3A_34 : i32 to index
      %swap3A_78 = arith.constant 96 : index
      %swap3A_79 = tpu.vector_load %arg10[%swap3A_77, %swap3A_78] {strides = array<i32>} : memref<256x128xf32, #tpu.memory_space<vmem>>, vector<1x16xf32>,
      %swap3A_80 = vector.shape_cast %swap3A_79 : vector<1x16xf32> to vector<16xf32>
      %swap3A_81 = vector.shape_cast %broadcast_in_dim3A_76 : vector<16xf32> to vector<1x16xf32>
      tpu.vector_store %arg10[%swap3A_77, %swap3A_78], %swap3A_81 {strides = array<i32>} : memref<256x128xf32, #tpu.memory_space<vmem>>, vector<1x16xf32>,
      %broadcast_in_dim3A_82 = arith.constant 1.000000e+00 : f32
      %broadcast_in_dim3A_83 = vector.broadcast %broadcast_in_dim3A_82 : f32 to vector<16xf32>
      %swap3A_84 = arith.index_cast %scan3A_34 : i32 to index
      %swap3A_85 = arith.constant 112 : index
      %swap3A_86 = tpu.vector_load %arg10[%swap3A_84, %swap3A_85] {strides = array<i32>} : memref<256x128xf32, #tpu.memory_space<vmem>>, vector<1x16xf32>,
      %swap3A_87 = vector.shape_cast %swap3A_86 : vector<1x16xf32> to vector<16xf32>
      %swap3A_88 = vector.shape_cast %broadcast_in_dim3A_83 : vector<16xf32> to vector<1x16xf32>
      tpu.vector_store %arg10[%swap3A_84, %swap3A_85], %swap3A_88 {strides = array<i32>} : memref<256x128xf32, #tpu.memory_space<vmem>>, vector<1x16xf32>,
    }
    %scan3A_17 = arith.constant 256 : i32
    %run_scoped3A = arith.constant 0 : i32
    "tpu.region"() ({
      %run_scoped3A_34 = tpu.sem_alloc : memref<!tpu.dma_semaphore, #tpu.memory_space<semaphore_mem>>
      %dma_start3A = arith.constant 0 : i32
      %dma_start3A_35 = tpu.memref_slice %arg6[%dma_start3A] : memref<2832xi32, #tpu.memory_space<vmem>> -> memref<2560xi32, #tpu.memory_space<vmem>>
      %dma_start3A_36 = tpu.memref_slice %arg3[%run_scoped3A, %mul3A_2] : memref<2x81920xi32, #tpu.memory_space<hbm>> -> memref<1x2560xi32, #tpu.memory_space<hbm>>
      %dma_start3A_37 = tpu.memref_squeeze %dma_start3A_36 : memref<1x2560xi32, #tpu.memory_space<hbm>> -> memref<2560xi32, #tpu.memory_space<hbm>>
      %dma_start3A_38 = arith.constant 0 : i32
      %dma_start3A_39 = tpu.memref_slice %arg6[%dma_start3A_38] : memref<2832xi32, #tpu.memory_space<vmem>> -> memref<2560xi32, #tpu.memory_space<vmem>>
      %dma_start3A_40 = tpu.memref_slice %arg3[%run_scoped3A, %mul3A_2] : memref<2x81920xi32, #tpu.memory_space<hbm>> -> memref<1x2560xi32, #tpu.memory_space<hbm>>
      %dma_start3A_41 = tpu.memref_squeeze %dma_start3A_40 : memref<1x2560xi32, #tpu.memory_space<hbm>> -> memref<2560xi32, #tpu.memory_space<hbm>>
      tpu.enqueue_dma source(%dma_start3A_41 : memref<2560xi32, #tpu.memory_space<hbm>>) target(%dma_start3A_39 : memref<2560xi32, #tpu.memory_space<vmem>>) target_semaphore(%run_scoped3A_34 : memref<!tpu.dma_semaphore, #tpu.memory_space<semaphore_mem>>)
      %dma_wait3A = arith.constant 0 : i32
      %dma_wait3A_42 = tpu.memref_slice %arg6[%dma_wait3A] : memref<2832xi32, #tpu.memory_space<vmem>> -> memref<2560xi32, #tpu.memory_space<vmem>>
      %dma_wait3A_43 = tpu.memref_slice %arg3[%run_scoped3A, %mul3A_2] : memref<2x81920xi32, #tpu.memory_space<hbm>> -> memref<1x2560xi32, #tpu.memory_space<hbm>>
      %dma_wait3A_44 = tpu.memref_squeeze %dma_wait3A_43 : memref<1x2560xi32, #tpu.memory_space<hbm>> -> memref<2560xi32, #tpu.memory_space<hbm>>
      %dma_wait3A_45 = arith.constant 0 : i32
      %dma_wait3A_46 = tpu.memref_slice %arg6[%dma_wait3A_45] : memref<2832xi32, #tpu.memory_space<vmem>> -> memref<2560xi32, #tpu.memory_space<vmem>>
      %dma_wait3A_47 = tpu.memref_slice %arg3[%run_scoped3A, %mul3A_2] : memref<2x81920xi32, #tpu.memory_space<hbm>> -> memref<1x2560xi32, #tpu.memory_space<hbm>>
      %dma_wait3A_48 = tpu.memref_squeeze %dma_wait3A_47 : memref<1x2560xi32, #tpu.memory_space<hbm>> -> memref<2560xi32, #tpu.memory_space<hbm>>
      tpu.wait_dma2 semaphore(%run_scoped3A_34 : memref<!tpu.dma_semaphore, #tpu.memory_space<semaphore_mem>>) src(%dma_wait3A_48 : memref<2560xi32, #tpu.memory_space<hbm>>) dst(%dma_wait3A_46 : memref<2560xi32, #tpu.memory_space<vmem>>)
      tpu.yield
    }) : () -> ()
    %run_scoped3A_18 = arith.constant 1 : i32
    "tpu.region"() ({
      %run_scoped3A_34 = tpu.sem_alloc : memref<!tpu.dma_semaphore, #tpu.memory_space<semaphore_mem>>
      %dma_start3A = arith.constant 0 : i32
      %dma_start3A_35 = tpu.memref_slice %arg7[%dma_start3A] : memref<2832xi32, #tpu.memory_space<vmem>> -> memref<2560xi32, #tpu.memory_space<vmem>>
      %dma_start3A_36 = tpu.memref_slice %arg3[%run_scoped3A_18, %mul3A_2] : memref<2x81920xi32, #tpu.memory_space<hbm>> -> memref<1x2560xi32, #tpu.memory_space<hbm>>
      %dma_start3A_37 = tpu.memref_squeeze %dma_start3A_36 : memref<1x2560xi32, #tpu.memory_space<hbm>> -> memref<2560xi32, #tpu.memory_space<hbm>>
      %dma_start3A_38 = arith.constant 0 : i32
      %dma_start3A_39 = tpu.memref_slice %arg7[%dma_start3A_38] : memref<2832xi32, #tpu.memory_space<vmem>> -> memref<2560xi32, #tpu.memory_space<vmem>>
      %dma_start3A_40 = tpu.memref_slice %arg3[%run_scoped3A_18, %mul3A_2] : memref<2x81920xi32, #tpu.memory_space<hbm>> -> memref<1x2560xi32, #tpu.memory_space<hbm>>
      %dma_start3A_41 = tpu.memref_squeeze %dma_start3A_40 : memref<1x2560xi32, #tpu.memory_space<hbm>> -> memref<2560xi32, #tpu.memory_space<hbm>>
      tpu.enqueue_dma source(%dma_start3A_41 : memref<2560xi32, #tpu.memory_space<hbm>>) target(%dma_start3A_39 : memref<2560xi32, #tpu.memory_space<vmem>>) target_semaphore(%run_scoped3A_34 : memref<!tpu.dma_semaphore, #tpu.memory_space<semaphore_mem>>)
      %dma_wait3A = arith.constant 0 : i32
      %dma_wait3A_42 = tpu.memref_slice %arg7[%dma_wait3A] : memref<2832xi32, #tpu.memory_space<vmem>> -> memref<2560xi32, #tpu.memory_space<vmem>>
      %dma_wait3A_43 = tpu.memref_slice %arg3[%run_scoped3A_18, %mul3A_2] : memref<2x81920xi32, #tpu.memory_space<hbm>> -> memref<1x2560xi32, #tpu.memory_space<hbm>>
      %dma_wait3A_44 = tpu.memref_squeeze %dma_wait3A_43 : memref<1x2560xi32, #tpu.memory_space<hbm>> -> memref<2560xi32, #tpu.memory_space<hbm>>
      %dma_wait3A_45 = arith.constant 0 : i32
      %dma_wait3A_46 = tpu.memref_slice %arg7[%dma_wait3A_45] : memref<2832xi32, #tpu.memory_space<vmem>> -> memref<2560xi32, #tpu.memory_space<vmem>>
      %dma_wait3A_47 = tpu.memref_slice %arg3[%run_scoped3A_18, %mul3A_2] : memref<2x81920xi32, #tpu.memory_space<hbm>> -> memref<1x2560xi32, #tpu.memory_space<hbm>>
      %dma_wait3A_48 = tpu.memref_squeeze %dma_wait3A_47 : memref<1x2560xi32, #tpu.memory_space<hbm>> -> memref<2560xi32, #tpu.memory_space<hbm>>
      tpu.wait_dma2 semaphore(%run_scoped3A_34 : memref<!tpu.dma_semaphore, #tpu.memory_space<semaphore_mem>>) src(%dma_wait3A_48 : memref<2560xi32, #tpu.memory_space<hbm>>) dst(%dma_wait3A_46 : memref<2560xi32, #tpu.memory_space<vmem>>)
      tpu.yield
    }) : () -> ()
    %barrier3A = arith.constant 0 : index
    tpu.barrier barrier_id(%barrier3A)
    %scan3A_19 = arith.constant 0 : i32
    %scan3A_20 = arith.constant 0 : i32
    %scan3A_21 = arith.constant 10 : i32
    %scan3A_22 = arith.addi %scan3A_20, %scan3A_21 : i32
    %scan3A_23 = arith.constant 1 : i32
    scf.for %scan3A_34 = %scan3A_20 to %scan3A_22 step %scan3A_23  : i32 {
      %mul3A_35 = arith.constant 256 : i32
      %mul3A_36 = arith.muli %scan3A_34, %mul3A_35 : i32
      %mul3A_37 = arith.constant 256 : i32
      %mul3A_38 = arith.muli %scan3A_34, %mul3A_37 : i32
      %dma_start3A = tpu.memref_slice %arg6[%mul3A_36] : memref<2832xi32, #tpu.memory_space<vmem>> -> memref<256xi32, #tpu.memory_space<vmem>>
      %dma_start3A_39 = arith.constant 0 : i32
      %dma_start3A_40 = arith.constant 0 : i32
      %dma_start3A_41 = tpu.memref_slice %arg2[%dma_start3A_39, %dma_start3A_40] : memref<1000x128xf32, #tpu.memory_space<hbm>> -> memref<1000x128xf32, #tpu.memory_space<hbm>>
      tpu.enqueue_indirect_dma source(%dma_start3A_41 : memref<1000x128xf32, #tpu.memory_space<hbm>>) target(%arg9 : memref<256x128xf32, #tpu.memory_space<vmem>>) offsets(%dma_start3A : memref<256xi32, #tpu.memory_space<vmem>>) semaphore(%arg14 : memref<!tpu.dma_semaphore, #tpu.memory_space<semaphore_mem>>)
      "tpu.region"() ({
        %run_scoped3A_45 = tpu.sem_alloc : memref<!tpu.dma_semaphore, #tpu.memory_space<semaphore_mem>>
        %dma_start3A_46 = tpu.memref_slice %arg7[%mul3A_38] : memref<2832xi32, #tpu.memory_space<vmem>> -> memref<256xi32, #tpu.memory_space<vmem>>
        %dma_start3A_47 = arith.constant 0 : i32
        %dma_start3A_48 = arith.constant 0 : i32
        %dma_start3A_49 = tpu.memref_slice %arg13[%dma_start3A_47, %dma_start3A_48] : memref<1024x128xf32, #tpu.memory_space<vmem_shared>> -> memref<1024x128xf32, #tpu.memory_space<vmem_shared>>
        tpu.enqueue_indirect_dma source(%arg10 : memref<256x128xf32, #tpu.memory_space<vmem>>) target(%dma_start3A_49 : memref<1024x128xf32, #tpu.memory_space<vmem_shared>>) offsets(%dma_start3A_46 : memref<256xi32, #tpu.memory_space<vmem>>) semaphore(%run_scoped3A_45 : memref<!tpu.dma_semaphore, #tpu.memory_space<semaphore_mem>>) {add = true}
        %dma_wait3A_50 = tpu.memref_slice %arg7[%mul3A_38] : memref<2832xi32, #tpu.memory_space<vmem>> -> memref<256xi32, #tpu.memory_space<vmem>>
        %dma_wait3A_51 = arith.constant 0 : i32
        %dma_wait3A_52 = arith.constant 0 : i32
        %dma_wait3A_53 = tpu.memref_slice %arg13[%dma_wait3A_51, %dma_wait3A_52] : memref<1024x128xf32, #tpu.memory_space<vmem_shared>> -> memref<1024x128xf32, #tpu.memory_space<vmem_shared>>
        tpu.wait_indirect_dma semaphore(%run_scoped3A_45 : memref<!tpu.dma_semaphore, #tpu.memory_space<semaphore_mem>>) src(%arg10 : memref<256x128xf32, #tpu.memory_space<vmem>>) dst(%dma_wait3A_53 : memref<1024x128xf32, #tpu.memory_space<vmem_shared>>)
        tpu.yield
      }) : () -> ()
      %dma_wait3A = tpu.memref_slice %arg6[%mul3A_36] : memref<2832xi32, #tpu.memory_space<vmem>> -> memref<256xi32, #tpu.memory_space<vmem>>
      %dma_wait3A_42 = arith.constant 0 : i32
      %dma_wait3A_43 = arith.constant 0 : i32
      %dma_wait3A_44 = tpu.memref_slice %arg2[%dma_wait3A_42, %dma_wait3A_43] : memref<1000x128xf32, #tpu.memory_space<hbm>> -> memref<1000x128xf32, #tpu.memory_space<hbm>>
      tpu.wait_indirect_dma semaphore(%arg14 : memref<!tpu.dma_semaphore, #tpu.memory_space<semaphore_mem>>) src(%dma_wait3A_44 : memref<1000x128xf32, #tpu.memory_space<hbm>>) dst(%arg9 : memref<256x128xf32, #tpu.memory_space<vmem>>)
      "tpu.region"() ({
        %run_scoped3A_45 = tpu.sem_alloc : memref<!tpu.dma_semaphore, #tpu.memory_space<semaphore_mem>>
        %dma_start3A_46 = tpu.memref_slice %arg7[%mul3A_38] : memref<2832xi32, #tpu.memory_space<vmem>> -> memref<256xi32, #tpu.memory_space<vmem>>
        %dma_start3A_47 = arith.constant 0 : i32
        %dma_start3A_48 = arith.constant 0 : i32
        %dma_start3A_49 = tpu.memref_slice %arg12[%dma_start3A_47, %dma_start3A_48] : memref<1024x128xf32, #tpu.memory_space<vmem_shared>> -> memref<1024x128xf32, #tpu.memory_space<vmem_shared>>
        tpu.enqueue_indirect_dma source(%arg9 : memref<256x128xf32, #tpu.memory_space<vmem>>) target(%dma_start3A_49 : memref<1024x128xf32, #tpu.memory_space<vmem_shared>>) offsets(%dma_start3A_46 : memref<256xi32, #tpu.memory_space<vmem>>) semaphore(%run_scoped3A_45 : memref<!tpu.dma_semaphore, #tpu.memory_space<semaphore_mem>>) {add = true}
        %dma_wait3A_50 = tpu.memref_slice %arg7[%mul3A_38] : memref<2832xi32, #tpu.memory_space<vmem>> -> memref<256xi32, #tpu.memory_space<vmem>>
        %dma_wait3A_51 = arith.constant 0 : i32
        %dma_wait3A_52 = arith.constant 0 : i32
        %dma_wait3A_53 = tpu.memref_slice %arg12[%dma_wait3A_51, %dma_wait3A_52] : memref<1024x128xf32, #tpu.memory_space<vmem_shared>> -> memref<1024x128xf32, #tpu.memory_space<vmem_shared>>
        tpu.wait_indirect_dma semaphore(%run_scoped3A_45 : memref<!tpu.dma_semaphore, #tpu.memory_space<semaphore_mem>>) src(%arg9 : memref<256x128xf32, #tpu.memory_space<vmem>>) dst(%dma_wait3A_53 : memref<1024x128xf32, #tpu.memory_space<vmem_shared>>)
        tpu.yield
      }) : () -> ()
    }
    %scan3A_24 = arith.constant 10 : i32
    %barrier3A_25 = arith.constant 0 : index
    tpu.barrier barrier_id(%barrier3A_25)
    %mul3A_26 = arith.constant 64 : i32
    %mul3A_27 = arith.muli %arg1, %mul3A_26 : i32
    "tpu.region"() ({
      %run_scoped3A_34 = tpu.sem_alloc : memref<!tpu.dma_semaphore, #tpu.memory_space<semaphore_mem>>
      %dma_start3A = arith.constant 0 : i32
      %dma_start3A_35 = tpu.memref_slice %arg12[%mul3A_27, %dma_start3A] : memref<1024x128xf32, #tpu.memory_space<vmem_shared>> -> memref<64x128xf32, #tpu.memory_space<vmem_shared>>
      %dma_start3A_36 = arith.constant 0 : i32
      %dma_start3A_37 = tpu.memref_slice %arg12[%mul3A_27, %dma_start3A_36] : memref<1024x128xf32, #tpu.memory_space<vmem_shared>> -> memref<64x128xf32, #tpu.memory_space<vmem_shared>>
      tpu.enqueue_dma source(%dma_start3A_37 : memref<64x128xf32, #tpu.memory_space<vmem_shared>>) target(%arg11 : memref<64x128xf32, #tpu.memory_space<vmem>>) target_semaphore(%run_scoped3A_34 : memref<!tpu.dma_semaphore, #tpu.memory_space<semaphore_mem>>)
      %dma_wait3A = arith.constant 0 : i32
      %dma_wait3A_38 = tpu.memref_slice %arg12[%mul3A_27, %dma_wait3A] : memref<1024x128xf32, #tpu.memory_space<vmem_shared>> -> memref<64x128xf32, #tpu.memory_space<vmem_shared>>
      %dma_wait3A_39 = arith.constant 0 : i32
      %dma_wait3A_40 = tpu.memref_slice %arg12[%mul3A_27, %dma_wait3A_39] : memref<1024x128xf32, #tpu.memory_space<vmem_shared>> -> memref<64x128xf32, #tpu.memory_space<vmem_shared>>
      tpu.wait_dma2 semaphore(%run_scoped3A_34 : memref<!tpu.dma_semaphore, #tpu.memory_space<semaphore_mem>>) src(%dma_wait3A_40 : memref<64x128xf32, #tpu.memory_space<vmem_shared>>) dst(%arg11 : memref<64x128xf32, #tpu.memory_space<vmem>>)
      tpu.yield
    }) : () -> ()
    %mul3A_28 = arith.constant 64 : i32
    %mul3A_29 = arith.muli %arg1, %mul3A_28 : i32
    "tpu.region"() ({
      %run_scoped3A_34 = tpu.sem_alloc : memref<!tpu.dma_semaphore, #tpu.memory_space<semaphore_mem>>
      %dma_start3A = arith.constant 0 : i32
      %dma_start3A_35 = tpu.memref_slice %arg4[%arg0, %mul3A_29, %dma_start3A] : memref<2x1024x128xf32, #tpu.memory_space<hbm>> -> memref<1x64x128xf32, #tpu.memory_space<hbm>>
      %dma_start3A_36 = tpu.memref_squeeze %dma_start3A_35 : memref<1x64x128xf32, #tpu.memory_space<hbm>> -> memref<64x128xf32, #tpu.memory_space<hbm>>
      %dma_start3A_37 = arith.constant 0 : i32
      %dma_start3A_38 = tpu.memref_slice %arg4[%arg0, %mul3A_29, %dma_start3A_37] : memref<2x1024x128xf32, #tpu.memory_space<hbm>> -> memref<1x64x128xf32, #tpu.memory_space<hbm>>
      %dma_start3A_39 = tpu.memref_squeeze %dma_start3A_38 : memref<1x64x128xf32, #tpu.memory_space<hbm>> -> memref<64x128xf32, #tpu.memory_space<hbm>>
      tpu.enqueue_dma source(%arg11 : memref<64x128xf32, #tpu.memory_space<vmem>>) target(%dma_start3A_39 : memref<64x128xf32, #tpu.memory_space<hbm>>) target_semaphore(%run_scoped3A_34 : memref<!tpu.dma_semaphore, #tpu.memory_space<semaphore_mem>>)
      %dma_wait3A = arith.constant 0 : i32
      %dma_wait3A_40 = tpu.memref_slice %arg4[%arg0, %mul3A_29, %dma_wait3A] : memref<2x1024x128xf32, #tpu.memory_space<hbm>> -> memref<1x64x128xf32, #tpu.memory_space<hbm>>
      %dma_wait3A_41 = tpu.memref_squeeze %dma_wait3A_40 : memref<1x64x128xf32, #tpu.memory_space<hbm>> -> memref<64x128xf32, #tpu.memory_space<hbm>>
      %dma_wait3A_42 = arith.constant 0 : i32
      %dma_wait3A_43 = tpu.memref_slice %arg4[%arg0, %mul3A_29, %dma_wait3A_42] : memref<2x1024x128xf32, #tpu.memory_space<hbm>> -> memref<1x64x128xf32, #tpu.memory_space<hbm>>
      %dma_wait3A_44 = tpu.memref_squeeze %dma_wait3A_43 : memref<1x64x128xf32, #tpu.memory_space<hbm>> -> memref<64x128xf32, #tpu.memory_space<hbm>>
      tpu.wait_dma2 semaphore(%run_scoped3A_34 : memref<!tpu.dma_semaphore, #tpu.memory_space<semaphore_mem>>) src(%arg11 : memref<64x128xf32, #tpu.memory_space<vmem>>) dst(%dma_wait3A_44 : memref<64x128xf32, #tpu.memory_space<hbm>>)
      tpu.yield
    }) : () -> ()
    %mul3A_30 = arith.constant 64 : i32
    %mul3A_31 = arith.muli %arg1, %mul3A_30 : i32
    "tpu.region"() ({
      %run_scoped3A_34 = tpu.sem_alloc : memref<!tpu.dma_semaphore, #tpu.memory_space<semaphore_mem>>
      %dma_start3A = arith.constant 0 : i32
      %dma_start3A_35 = tpu.memref_slice %arg13[%mul3A_31, %dma_start3A] : memref<1024x128xf32, #tpu.memory_space<vmem_shared>> -> memref<64x128xf32, #tpu.memory_space<vmem_shared>>
      %dma_start3A_36 = arith.constant 0 : i32
      %dma_start3A_37 = tpu.memref_slice %arg13[%mul3A_31, %dma_start3A_36] : memref<1024x128xf32, #tpu.memory_space<vmem_shared>> -> memref<64x128xf32, #tpu.memory_space<vmem_shared>>
      tpu.enqueue_dma source(%dma_start3A_37 : memref<64x128xf32, #tpu.memory_space<vmem_shared>>) target(%arg11 : memref<64x128xf32, #tpu.memory_space<vmem>>) target_semaphore(%run_scoped3A_34 : memref<!tpu.dma_semaphore, #tpu.memory_space<semaphore_mem>>)
      %dma_wait3A = arith.constant 0 : i32
      %dma_wait3A_38 = tpu.memref_slice %arg13[%mul3A_31, %dma_wait3A] : memref<1024x128xf32, #tpu.memory_space<vmem_shared>> -> memref<64x128xf32, #tpu.memory_space<vmem_shared>>
      %dma_wait3A_39 = arith.constant 0 : i32
      %dma_wait3A_40 = tpu.memref_slice %arg13[%mul3A_31, %dma_wait3A_39] : memref<1024x128xf32, #tpu.memory_space<vmem_shared>> -> memref<64x128xf32, #tpu.memory_space<vmem_shared>>
      tpu.wait_dma2 semaphore(%run_scoped3A_34 : memref<!tpu.dma_semaphore, #tpu.memory_space<semaphore_mem>>) src(%dma_wait3A_40 : memref<64x128xf32, #tpu.memory_space<vmem_shared>>) dst(%arg11 : memref<64x128xf32, #tpu.memory_space<vmem>>)
      tpu.yield
    }) : () -> ()
    %mul3A_32 = arith.constant 64 : i32
    %mul3A_33 = arith.muli %arg1, %mul3A_32 : i32
    "tpu.region"() ({
      %run_scoped3A_34 = tpu.sem_alloc : memref<!tpu.dma_semaphore, #tpu.memory_space<semaphore_mem>>
      %dma_start3A = arith.constant 0 : i32
      %dma_start3A_35 = tpu.memref_slice %arg5[%arg0, %mul3A_33, %dma_start3A] : memref<2x1024x128xf32, #tpu.memory_space<hbm>> -> memref<1x64x128xf32, #tpu.memory_space<hbm>>
      %dma_start3A_36 = tpu.memref_squeeze %dma_start3A_35 : memref<1x64x128xf32, #tpu.memory_space<hbm>> -> memref<64x128xf32, #tpu.memory_space<hbm>>
      %dma_start3A_37 = arith.constant 0 : i32
      %dma_start3A_38 = tpu.memref_slice %arg5[%arg0, %mul3A_33, %dma_start3A_37] : memref<2x1024x128xf32, #tpu.memory_space<hbm>> -> memref<1x64x128xf32, #tpu.memory_space<hbm>>
      %dma_start3A_39 = tpu.memref_squeeze %dma_start3A_38 : memref<1x64x128xf32, #tpu.memory_space<hbm>> -> memref<64x128xf32, #tpu.memory_space<hbm>>
      tpu.enqueue_dma source(%arg11 : memref<64x128xf32, #tpu.memory_space<vmem>>) target(%dma_start3A_39 : memref<64x128xf32, #tpu.memory_space<hbm>>) target_semaphore(%run_scoped3A_34 : memref<!tpu.dma_semaphore, #tpu.memory_space<semaphore_mem>>)
      %dma_wait3A = arith.constant 0 : i32
      %dma_wait3A_40 = tpu.memref_slice %arg5[%arg0, %mul3A_33, %dma_wait3A] : memref<2x1024x128xf32, #tpu.memory_space<hbm>> -> memref<1x64x128xf32, #tpu.memory_space<hbm>>
      %dma_wait3A_41 = tpu.memref_squeeze %dma_wait3A_40 : memref<1x64x128xf32, #tpu.memory_space<hbm>> -> memref<64x128xf32, #tpu.memory_space<hbm>>
      %dma_wait3A_42 = arith.constant 0 : i32
      %dma_wait3A_43 = tpu.memref_slice %arg5[%arg0, %mul3A_33, %dma_wait3A_42] : memref<2x1024x128xf32, #tpu.memory_space<hbm>> -> memref<1x64x128xf32, #tpu.memory_space<hbm>>
      %dma_wait3A_44 = tpu.memref_squeeze %dma_wait3A_43 : memref<1x64x128xf32, #tpu.memory_space<hbm>> -> memref<64x128xf32, #tpu.memory_space<hbm>>
      tpu.wait_dma2 semaphore(%run_scoped3A_34 : memref<!tpu.dma_semaphore, #tpu.memory_space<semaphore_mem>>) src(%arg11 : memref<64x128xf32, #tpu.memory_space<vmem>>) dst(%dma_wait3A_44 : memref<64x128xf32, #tpu.memory_space<hbm>>)
      tpu.yield
    }) : () -> ()
    return
  }
}

#map = affine_map<(d0, d1) -> (0, 0)>
#map1 = affine_map<(d0, d1) -> (0, 0, 0)>
module attributes {stable_mosaic.version = 14 : i64} {
  func.func @sc_agg(%arg0: i32, %arg1: i32, %arg2: memref<10000x128xf32, #tpu.memory_space<hbm>>, %arg3: memref<2x327680xi32, #tpu.memory_space<hbm>>, %arg4: memref<2x1024x128xf32, #tpu.memory_space<hbm>>, %arg5: memref<2x1024x128xf32, #tpu.memory_space<hbm>>, %arg6: memref<10512xi32, #tpu.memory_space<vmem>>, %arg7: memref<10512xi32, #tpu.memory_space<vmem>>, %arg8: memref<10512xi32, #tpu.memory_space<vmem>>, %arg9: memref<256x128xf32, #tpu.memory_space<vmem>>, %arg10: memref<256x128xf32, #tpu.memory_space<vmem>>, %arg11: memref<64x128xf32, #tpu.memory_space<vmem>>, %arg12: memref<1024x128xf32, #tpu.memory_space<vmem_shared>>, %arg13: memref<1024x128xf32, #tpu.memory_space<vmem_shared>>, %arg14: memref<!tpu.dma_semaphore, #tpu.memory_space<semaphore_mem>>) attributes {dimension_semantics = [#tpu.dimension_semantics<core_parallel>, #tpu.dimension_semantics<subcore_parallel>], iteration_bounds = array<i64: 2, 16>, scalar_prefetch = 0 : i64, scratch_operands = 9 : i64, tpu.core_type = #tpu.core_type<sc_vector_subcore>, window_params = [{transform_indices = #map}, {transform_indices = #map}, {transform_indices = #map1}, {transform_indices = #map1}]} {
    %mul3A = arith.constant 2 : i32
    %mul3A_0 = arith.muli %arg1, %mul3A : i32
    %add3A = arith.addi %mul3A_0, %arg0 : i32
    %mul3A_1 = arith.constant 10240 : i32
    %mul3A_2 = arith.muli %add3A, %mul3A_1 : i32
    %scan3A = arith.constant 0 : i32
    %scan3A_3 = arith.constant 0 : i32
    %scan3A_4 = arith.constant 64 : i32
    %scan3A_5 = arith.addi %scan3A_3, %scan3A_4 : i32
    %scan3A_6 = arith.constant 1 : i32
    scf.for %scan3A_178 = %scan3A_3 to %scan3A_5 step %scan3A_6  : i32 {
      %broadcast_in_dim3A_179 = arith.constant 0.000000e+00 : f32
      %broadcast_in_dim3A_180 = vector.broadcast %broadcast_in_dim3A_179 : f32 to vector<16xf32>
      %swap3A_181 = arith.index_cast %scan3A_178 : i32 to index
      %swap3A_182 = arith.constant 0 : index
      %swap3A_183 = tpu.vector_load %arg11[%swap3A_181, %swap3A_182] {strides = array<i32>} : memref<64x128xf32, #tpu.memory_space<vmem>>, vector<1x16xf32>,
      %swap3A_184 = vector.shape_cast %swap3A_183 : vector<1x16xf32> to vector<16xf32>
      %swap3A_185 = vector.shape_cast %broadcast_in_dim3A_180 : vector<16xf32> to vector<1x16xf32>
      tpu.vector_store %arg11[%swap3A_181, %swap3A_182], %swap3A_185 {strides = array<i32>} : memref<64x128xf32, #tpu.memory_space<vmem>>, vector<1x16xf32>,
      %broadcast_in_dim3A_186 = arith.constant 0.000000e+00 : f32
      %broadcast_in_dim3A_187 = vector.broadcast %broadcast_in_dim3A_186 : f32 to vector<16xf32>
      %swap3A_188 = arith.index_cast %scan3A_178 : i32 to index
      %swap3A_189 = arith.constant 16 : index
      %swap3A_190 = tpu.vector_load %arg11[%swap3A_188, %swap3A_189] {strides = array<i32>} : memref<64x128xf32, #tpu.memory_space<vmem>>, vector<1x16xf32>,
      %swap3A_191 = vector.shape_cast %swap3A_190 : vector<1x16xf32> to vector<16xf32>
      %swap3A_192 = vector.shape_cast %broadcast_in_dim3A_187 : vector<16xf32> to vector<1x16xf32>
      tpu.vector_store %arg11[%swap3A_188, %swap3A_189], %swap3A_192 {strides = array<i32>} : memref<64x128xf32, #tpu.memory_space<vmem>>, vector<1x16xf32>,
      %broadcast_in_dim3A_193 = arith.constant 0.000000e+00 : f32
      %broadcast_in_dim3A_194 = vector.broadcast %broadcast_in_dim3A_193 : f32 to vector<16xf32>
      %swap3A_195 = arith.index_cast %scan3A_178 : i32 to index
      %swap3A_196 = arith.constant 32 : index
      %swap3A_197 = tpu.vector_load %arg11[%swap3A_195, %swap3A_196] {strides = array<i32>} : memref<64x128xf32, #tpu.memory_space<vmem>>, vector<1x16xf32>,
      %swap3A_198 = vector.shape_cast %swap3A_197 : vector<1x16xf32> to vector<16xf32>
      %swap3A_199 = vector.shape_cast %broadcast_in_dim3A_194 : vector<16xf32> to vector<1x16xf32>
      tpu.vector_store %arg11[%swap3A_195, %swap3A_196], %swap3A_199 {strides = array<i32>} : memref<64x128xf32, #tpu.memory_space<vmem>>, vector<1x16xf32>,
      %broadcast_in_dim3A_200 = arith.constant 0.000000e+00 : f32
      %broadcast_in_dim3A_201 = vector.broadcast %broadcast_in_dim3A_200 : f32 to vector<16xf32>
      %swap3A_202 = arith.index_cast %scan3A_178 : i32 to index
      %swap3A_203 = arith.constant 48 : index
      %swap3A_204 = tpu.vector_load %arg11[%swap3A_202, %swap3A_203] {strides = array<i32>} : memref<64x128xf32, #tpu.memory_space<vmem>>, vector<1x16xf32>,
      %swap3A_205 = vector.shape_cast %swap3A_204 : vector<1x16xf32> to vector<16xf32>
      %swap3A_206 = vector.shape_cast %broadcast_in_dim3A_201 : vector<16xf32> to vector<1x16xf32>
      tpu.vector_store %arg11[%swap3A_202, %swap3A_203], %swap3A_206 {strides = array<i32>} : memref<64x128xf32, #tpu.memory_space<vmem>>, vector<1x16xf32>,
      %broadcast_in_dim3A_207 = arith.constant 0.000000e+00 : f32
      %broadcast_in_dim3A_208 = vector.broadcast %broadcast_in_dim3A_207 : f32 to vector<16xf32>
      %swap3A_209 = arith.index_cast %scan3A_178 : i32 to index
      %swap3A_210 = arith.constant 64 : index
      %swap3A_211 = tpu.vector_load %arg11[%swap3A_209, %swap3A_210] {strides = array<i32>} : memref<64x128xf32, #tpu.memory_space<vmem>>, vector<1x16xf32>,
      %swap3A_212 = vector.shape_cast %swap3A_211 : vector<1x16xf32> to vector<16xf32>
      %swap3A_213 = vector.shape_cast %broadcast_in_dim3A_208 : vector<16xf32> to vector<1x16xf32>
      tpu.vector_store %arg11[%swap3A_209, %swap3A_210], %swap3A_213 {strides = array<i32>} : memref<64x128xf32, #tpu.memory_space<vmem>>, vector<1x16xf32>,
      %broadcast_in_dim3A_214 = arith.constant 0.000000e+00 : f32
      %broadcast_in_dim3A_215 = vector.broadcast %broadcast_in_dim3A_214 : f32 to vector<16xf32>
      %swap3A_216 = arith.index_cast %scan3A_178 : i32 to index
      %swap3A_217 = arith.constant 80 : index
      %swap3A_218 = tpu.vector_load %arg11[%swap3A_216, %swap3A_217] {strides = array<i32>} : memref<64x128xf32, #tpu.memory_space<vmem>>, vector<1x16xf32>,
      %swap3A_219 = vector.shape_cast %swap3A_218 : vector<1x16xf32> to vector<16xf32>
      %swap3A_220 = vector.shape_cast %broadcast_in_dim3A_215 : vector<16xf32> to vector<1x16xf32>
      tpu.vector_store %arg11[%swap3A_216, %swap3A_217], %swap3A_220 {strides = array<i32>} : memref<64x128xf32, #tpu.memory_space<vmem>>, vector<1x16xf32>,
      %broadcast_in_dim3A_221 = arith.constant 0.000000e+00 : f32
      %broadcast_in_dim3A_222 = vector.broadcast %broadcast_in_dim3A_221 : f32 to vector<16xf32>
      %swap3A_223 = arith.index_cast %scan3A_178 : i32 to index
      %swap3A_224 = arith.constant 96 : index
      %swap3A_225 = tpu.vector_load %arg11[%swap3A_223, %swap3A_224] {strides = array<i32>} : memref<64x128xf32, #tpu.memory_space<vmem>>, vector<1x16xf32>,
      %swap3A_226 = vector.shape_cast %swap3A_225 : vector<1x16xf32> to vector<16xf32>
      %swap3A_227 = vector.shape_cast %broadcast_in_dim3A_222 : vector<16xf32> to vector<1x16xf32>
      tpu.vector_store %arg11[%swap3A_223, %swap3A_224], %swap3A_227 {strides = array<i32>} : memref<64x128xf32, #tpu.memory_space<vmem>>, vector<1x16xf32>,
      %broadcast_in_dim3A_228 = arith.constant 0.000000e+00 : f32
      %broadcast_in_dim3A_229 = vector.broadcast %broadcast_in_dim3A_228 : f32 to vector<16xf32>
      %swap3A_230 = arith.index_cast %scan3A_178 : i32 to index
      %swap3A_231 = arith.constant 112 : index
      %swap3A_232 = tpu.vector_load %arg11[%swap3A_230, %swap3A_231] {strides = array<i32>} : memref<64x128xf32, #tpu.memory_space<vmem>>, vector<1x16xf32>,
      %swap3A_233 = vector.shape_cast %swap3A_232 : vector<1x16xf32> to vector<16xf32>
      %swap3A_234 = vector.shape_cast %broadcast_in_dim3A_229 : vector<16xf32> to vector<1x16xf32>
      tpu.vector_store %arg11[%swap3A_230, %swap3A_231], %swap3A_234 {strides = array<i32>} : memref<64x128xf32, #tpu.memory_space<vmem>>, vector<1x16xf32>,
    }
    %scan3A_7 = arith.constant 64 : i32
    %mul3A_8 = arith.constant 64 : i32
    %mul3A_9 = arith.muli %arg1, %mul3A_8 : i32
    "tpu.region"() ({
      %run_scoped3A_178 = tpu.sem_alloc : memref<!tpu.dma_semaphore, #tpu.memory_space<semaphore_mem>>
      %dma_start3A = arith.constant 0 : i32
      %dma_start3A_179 = tpu.memref_slice %arg12[%mul3A_9, %dma_start3A] : memref<1024x128xf32, #tpu.memory_space<vmem_shared>> -> memref<64x128xf32, #tpu.memory_space<vmem_shared>>
      %dma_start3A_180 = arith.constant 0 : i32
      %dma_start3A_181 = tpu.memref_slice %arg12[%mul3A_9, %dma_start3A_180] : memref<1024x128xf32, #tpu.memory_space<vmem_shared>> -> memref<64x128xf32, #tpu.memory_space<vmem_shared>>
      tpu.enqueue_dma source(%arg11 : memref<64x128xf32, #tpu.memory_space<vmem>>) target(%dma_start3A_181 : memref<64x128xf32, #tpu.memory_space<vmem_shared>>) target_semaphore(%run_scoped3A_178 : memref<!tpu.dma_semaphore, #tpu.memory_space<semaphore_mem>>)
      %dma_wait3A = arith.constant 0 : i32
      %dma_wait3A_182 = tpu.memref_slice %arg12[%mul3A_9, %dma_wait3A] : memref<1024x128xf32, #tpu.memory_space<vmem_shared>> -> memref<64x128xf32, #tpu.memory_space<vmem_shared>>
      %dma_wait3A_183 = arith.constant 0 : i32
      %dma_wait3A_184 = tpu.memref_slice %arg12[%mul3A_9, %dma_wait3A_183] : memref<1024x128xf32, #tpu.memory_space<vmem_shared>> -> memref<64x128xf32, #tpu.memory_space<vmem_shared>>
      tpu.wait_dma2 semaphore(%run_scoped3A_178 : memref<!tpu.dma_semaphore, #tpu.memory_space<semaphore_mem>>) src(%arg11 : memref<64x128xf32, #tpu.memory_space<vmem>>) dst(%dma_wait3A_184 : memref<64x128xf32, #tpu.memory_space<vmem_shared>>)
      tpu.yield
    }) : () -> ()
    %mul3A_10 = arith.constant 64 : i32
    %mul3A_11 = arith.muli %arg1, %mul3A_10 : i32
    "tpu.region"() ({
      %run_scoped3A_178 = tpu.sem_alloc : memref<!tpu.dma_semaphore, #tpu.memory_space<semaphore_mem>>
      %dma_start3A = arith.constant 0 : i32
      %dma_start3A_179 = tpu.memref_slice %arg13[%mul3A_11, %dma_start3A] : memref<1024x128xf32, #tpu.memory_space<vmem_shared>> -> memref<64x128xf32, #tpu.memory_space<vmem_shared>>
      %dma_start3A_180 = arith.constant 0 : i32
      %dma_start3A_181 = tpu.memref_slice %arg13[%mul3A_11, %dma_start3A_180] : memref<1024x128xf32, #tpu.memory_space<vmem_shared>> -> memref<64x128xf32, #tpu.memory_space<vmem_shared>>
      tpu.enqueue_dma source(%arg11 : memref<64x128xf32, #tpu.memory_space<vmem>>) target(%dma_start3A_181 : memref<64x128xf32, #tpu.memory_space<vmem_shared>>) target_semaphore(%run_scoped3A_178 : memref<!tpu.dma_semaphore, #tpu.memory_space<semaphore_mem>>)
      %dma_wait3A = arith.constant 0 : i32
      %dma_wait3A_182 = tpu.memref_slice %arg13[%mul3A_11, %dma_wait3A] : memref<1024x128xf32, #tpu.memory_space<vmem_shared>> -> memref<64x128xf32, #tpu.memory_space<vmem_shared>>
      %dma_wait3A_183 = arith.constant 0 : i32
      %dma_wait3A_184 = tpu.memref_slice %arg13[%mul3A_11, %dma_wait3A_183] : memref<1024x128xf32, #tpu.memory_space<vmem_shared>> -> memref<64x128xf32, #tpu.memory_space<vmem_shared>>
      tpu.wait_dma2 semaphore(%run_scoped3A_178 : memref<!tpu.dma_semaphore, #tpu.memory_space<semaphore_mem>>) src(%arg11 : memref<64x128xf32, #tpu.memory_space<vmem>>) dst(%dma_wait3A_184 : memref<64x128xf32, #tpu.memory_space<vmem_shared>>)
      tpu.yield
    }) : () -> ()
    %scan3A_12 = arith.constant 0 : i32
    %scan3A_13 = arith.constant 0 : i32
    %scan3A_14 = arith.constant 256 : i32
    %scan3A_15 = arith.addi %scan3A_13, %scan3A_14 : i32
    %scan3A_16 = arith.constant 1 : i32
    scf.for %scan3A_178 = %scan3A_13 to %scan3A_15 step %scan3A_16  : i32 {
      %broadcast_in_dim3A_179 = arith.constant 1.000000e+00 : f32
      %broadcast_in_dim3A_180 = vector.broadcast %broadcast_in_dim3A_179 : f32 to vector<16xf32>
      %swap3A_181 = arith.index_cast %scan3A_178 : i32 to index
      %swap3A_182 = arith.constant 0 : index
      %swap3A_183 = tpu.vector_load %arg10[%swap3A_181, %swap3A_182] {strides = array<i32>} : memref<256x128xf32, #tpu.memory_space<vmem>>, vector<1x16xf32>,
      %swap3A_184 = vector.shape_cast %swap3A_183 : vector<1x16xf32> to vector<16xf32>
      %swap3A_185 = vector.shape_cast %broadcast_in_dim3A_180 : vector<16xf32> to vector<1x16xf32>
      tpu.vector_store %arg10[%swap3A_181, %swap3A_182], %swap3A_185 {strides = array<i32>} : memref<256x128xf32, #tpu.memory_space<vmem>>, vector<1x16xf32>,
      %broadcast_in_dim3A_186 = arith.constant 1.000000e+00 : f32
      %broadcast_in_dim3A_187 = vector.broadcast %broadcast_in_dim3A_186 : f32 to vector<16xf32>
      %swap3A_188 = arith.index_cast %scan3A_178 : i32 to index
      %swap3A_189 = arith.constant 16 : index
      %swap3A_190 = tpu.vector_load %arg10[%swap3A_188, %swap3A_189] {strides = array<i32>} : memref<256x128xf32, #tpu.memory_space<vmem>>, vector<1x16xf32>,
      %swap3A_191 = vector.shape_cast %swap3A_190 : vector<1x16xf32> to vector<16xf32>
      %swap3A_192 = vector.shape_cast %broadcast_in_dim3A_187 : vector<16xf32> to vector<1x16xf32>
      tpu.vector_store %arg10[%swap3A_188, %swap3A_189], %swap3A_192 {strides = array<i32>} : memref<256x128xf32, #tpu.memory_space<vmem>>, vector<1x16xf32>,
      %broadcast_in_dim3A_193 = arith.constant 1.000000e+00 : f32
      %broadcast_in_dim3A_194 = vector.broadcast %broadcast_in_dim3A_193 : f32 to vector<16xf32>
      %swap3A_195 = arith.index_cast %scan3A_178 : i32 to index
      %swap3A_196 = arith.constant 32 : index
      %swap3A_197 = tpu.vector_load %arg10[%swap3A_195, %swap3A_196] {strides = array<i32>} : memref<256x128xf32, #tpu.memory_space<vmem>>, vector<1x16xf32>,
      %swap3A_198 = vector.shape_cast %swap3A_197 : vector<1x16xf32> to vector<16xf32>
      %swap3A_199 = vector.shape_cast %broadcast_in_dim3A_194 : vector<16xf32> to vector<1x16xf32>
      tpu.vector_store %arg10[%swap3A_195, %swap3A_196], %swap3A_199 {strides = array<i32>} : memref<256x128xf32, #tpu.memory_space<vmem>>, vector<1x16xf32>,
      %broadcast_in_dim3A_200 = arith.constant 1.000000e+00 : f32
      %broadcast_in_dim3A_201 = vector.broadcast %broadcast_in_dim3A_200 : f32 to vector<16xf32>
      %swap3A_202 = arith.index_cast %scan3A_178 : i32 to index
      %swap3A_203 = arith.constant 48 : index
      %swap3A_204 = tpu.vector_load %arg10[%swap3A_202, %swap3A_203] {strides = array<i32>} : memref<256x128xf32, #tpu.memory_space<vmem>>, vector<1x16xf32>,
      %swap3A_205 = vector.shape_cast %swap3A_204 : vector<1x16xf32> to vector<16xf32>
      %swap3A_206 = vector.shape_cast %broadcast_in_dim3A_201 : vector<16xf32> to vector<1x16xf32>
      tpu.vector_store %arg10[%swap3A_202, %swap3A_203], %swap3A_206 {strides = array<i32>} : memref<256x128xf32, #tpu.memory_space<vmem>>, vector<1x16xf32>,
      %broadcast_in_dim3A_207 = arith.constant 1.000000e+00 : f32
      %broadcast_in_dim3A_208 = vector.broadcast %broadcast_in_dim3A_207 : f32 to vector<16xf32>
      %swap3A_209 = arith.index_cast %scan3A_178 : i32 to index
      %swap3A_210 = arith.constant 64 : index
      %swap3A_211 = tpu.vector_load %arg10[%swap3A_209, %swap3A_210] {strides = array<i32>} : memref<256x128xf32, #tpu.memory_space<vmem>>, vector<1x16xf32>,
      %swap3A_212 = vector.shape_cast %swap3A_211 : vector<1x16xf32> to vector<16xf32>
      %swap3A_213 = vector.shape_cast %broadcast_in_dim3A_208 : vector<16xf32> to vector<1x16xf32>
      tpu.vector_store %arg10[%swap3A_209, %swap3A_210], %swap3A_213 {strides = array<i32>} : memref<256x128xf32, #tpu.memory_space<vmem>>, vector<1x16xf32>,
      %broadcast_in_dim3A_214 = arith.constant 1.000000e+00 : f32
      %broadcast_in_dim3A_215 = vector.broadcast %broadcast_in_dim3A_214 : f32 to vector<16xf32>
      %swap3A_216 = arith.index_cast %scan3A_178 : i32 to index
      %swap3A_217 = arith.constant 80 : index
      %swap3A_218 = tpu.vector_load %arg10[%swap3A_216, %swap3A_217] {strides = array<i32>} : memref<256x128xf32, #tpu.memory_space<vmem>>, vector<1x16xf32>,
      %swap3A_219 = vector.shape_cast %swap3A_218 : vector<1x16xf32> to vector<16xf32>
      %swap3A_220 = vector.shape_cast %broadcast_in_dim3A_215 : vector<16xf32> to vector<1x16xf32>
      tpu.vector_store %arg10[%swap3A_216, %swap3A_217], %swap3A_220 {strides = array<i32>} : memref<256x128xf32, #tpu.memory_space<vmem>>, vector<1x16xf32>,
      %broadcast_in_dim3A_221 = arith.constant 1.000000e+00 : f32
      %broadcast_in_dim3A_222 = vector.broadcast %broadcast_in_dim3A_221 : f32 to vector<16xf32>
      %swap3A_223 = arith.index_cast %scan3A_178 : i32 to index
      %swap3A_224 = arith.constant 96 : index
      %swap3A_225 = tpu.vector_load %arg10[%swap3A_223, %swap3A_224] {strides = array<i32>} : memref<256x128xf32, #tpu.memory_space<vmem>>, vector<1x16xf32>,
      %swap3A_226 = vector.shape_cast %swap3A_225 : vector<1x16xf32> to vector<16xf32>
      %swap3A_227 = vector.shape_cast %broadcast_in_dim3A_222 : vector<16xf32> to vector<1x16xf32>
      tpu.vector_store %arg10[%swap3A_223, %swap3A_224], %swap3A_227 {strides = array<i32>} : memref<256x128xf32, #tpu.memory_space<vmem>>, vector<1x16xf32>,
      %broadcast_in_dim3A_228 = arith.constant 1.000000e+00 : f32
      %broadcast_in_dim3A_229 = vector.broadcast %broadcast_in_dim3A_228 : f32 to vector<16xf32>
      %swap3A_230 = arith.index_cast %scan3A_178 : i32 to index
      %swap3A_231 = arith.constant 112 : index
      %swap3A_232 = tpu.vector_load %arg10[%swap3A_230, %swap3A_231] {strides = array<i32>} : memref<256x128xf32, #tpu.memory_space<vmem>>, vector<1x16xf32>,
      %swap3A_233 = vector.shape_cast %swap3A_232 : vector<1x16xf32> to vector<16xf32>
      %swap3A_234 = vector.shape_cast %broadcast_in_dim3A_229 : vector<16xf32> to vector<1x16xf32>
      tpu.vector_store %arg10[%swap3A_230, %swap3A_231], %swap3A_234 {strides = array<i32>} : memref<256x128xf32, #tpu.memory_space<vmem>>, vector<1x16xf32>,
    }
    %scan3A_17 = arith.constant 256 : i32
    %run_scoped3A = arith.constant 0 : i32
    "tpu.region"() ({
      %run_scoped3A_178 = tpu.sem_alloc : memref<!tpu.dma_semaphore, #tpu.memory_space<semaphore_mem>>
      %dma_start3A = arith.constant 0 : i32
      %dma_start3A_179 = tpu.memref_slice %arg6[%dma_start3A] : memref<10512xi32, #tpu.memory_space<vmem>> -> memref<10240xi32, #tpu.memory_space<vmem>>
      %dma_start3A_180 = tpu.memref_slice %arg3[%run_scoped3A, %mul3A_2] : memref<2x327680xi32, #tpu.memory_space<hbm>> -> memref<1x10240xi32, #tpu.memory_space<hbm>>
      %dma_start3A_181 = tpu.memref_squeeze %dma_start3A_180 : memref<1x10240xi32, #tpu.memory_space<hbm>> -> memref<10240xi32, #tpu.memory_space<hbm>>
      %dma_start3A_182 = arith.constant 0 : i32
      %dma_start3A_183 = tpu.memref_slice %arg6[%dma_start3A_182] : memref<10512xi32, #tpu.memory_space<vmem>> -> memref<10240xi32, #tpu.memory_space<vmem>>
      %dma_start3A_184 = tpu.memref_slice %arg3[%run_scoped3A, %mul3A_2] : memref<2x327680xi32, #tpu.memory_space<hbm>> -> memref<1x10240xi32, #tpu.memory_space<hbm>>
      %dma_start3A_185 = tpu.memref_squeeze %dma_start3A_184 : memref<1x10240xi32, #tpu.memory_space<hbm>> -> memref<10240xi32, #tpu.memory_space<hbm>>
      tpu.enqueue_dma source(%dma_start3A_185 : memref<10240xi32, #tpu.memory_space<hbm>>) target(%dma_start3A_183 : memref<10240xi32, #tpu.memory_space<vmem>>) target_semaphore(%run_scoped3A_178 : memref<!tpu.dma_semaphore, #tpu.memory_space<semaphore_mem>>)
      %dma_wait3A = arith.constant 0 : i32
      %dma_wait3A_186 = tpu.memref_slice %arg6[%dma_wait3A] : memref<10512xi32, #tpu.memory_space<vmem>> -> memref<10240xi32, #tpu.memory_space<vmem>>
      %dma_wait3A_187 = tpu.memref_slice %arg3[%run_scoped3A, %mul3A_2] : memref<2x327680xi32, #tpu.memory_space<hbm>> -> memref<1x10240xi32, #tpu.memory_space<hbm>>
      %dma_wait3A_188 = tpu.memref_squeeze %dma_wait3A_187 : memref<1x10240xi32, #tpu.memory_space<hbm>> -> memref<10240xi32, #tpu.memory_space<hbm>>
      %dma_wait3A_189 = arith.constant 0 : i32
      %dma_wait3A_190 = tpu.memref_slice %arg6[%dma_wait3A_189] : memref<10512xi32, #tpu.memory_space<vmem>> -> memref<10240xi32, #tpu.memory_space<vmem>>
      %dma_wait3A_191 = tpu.memref_slice %arg3[%run_scoped3A, %mul3A_2] : memref<2x327680xi32, #tpu.memory_space<hbm>> -> memref<1x10240xi32, #tpu.memory_space<hbm>>
      %dma_wait3A_192 = tpu.memref_squeeze %dma_wait3A_191 : memref<1x10240xi32, #tpu.memory_space<hbm>> -> memref<10240xi32, #tpu.memory_space<hbm>>
      tpu.wait_dma2 semaphore(%run_scoped3A_178 : memref<!tpu.dma_semaphore, #tpu.memory_space<semaphore_mem>>) src(%dma_wait3A_192 : memref<10240xi32, #tpu.memory_space<hbm>>) dst(%dma_wait3A_190 : memref<10240xi32, #tpu.memory_space<vmem>>)
      tpu.yield
    }) : () -> ()
    %run_scoped3A_18 = arith.constant 1 : i32
    "tpu.region"() ({
      %run_scoped3A_178 = tpu.sem_alloc : memref<!tpu.dma_semaphore, #tpu.memory_space<semaphore_mem>>
      %dma_start3A = arith.constant 0 : i32
      %dma_start3A_179 = tpu.memref_slice %arg7[%dma_start3A] : memref<10512xi32, #tpu.memory_space<vmem>> -> memref<10240xi32, #tpu.memory_space<vmem>>
      %dma_start3A_180 = tpu.memref_slice %arg3[%run_scoped3A_18, %mul3A_2] : memref<2x327680xi32, #tpu.memory_space<hbm>> -> memref<1x10240xi32, #tpu.memory_space<hbm>>
      %dma_start3A_181 = tpu.memref_squeeze %dma_start3A_180 : memref<1x10240xi32, #tpu.memory_space<hbm>> -> memref<10240xi32, #tpu.memory_space<hbm>>
      %dma_start3A_182 = arith.constant 0 : i32
      %dma_start3A_183 = tpu.memref_slice %arg7[%dma_start3A_182] : memref<10512xi32, #tpu.memory_space<vmem>> -> memref<10240xi32, #tpu.memory_space<vmem>>
      %dma_start3A_184 = tpu.memref_slice %arg3[%run_scoped3A_18, %mul3A_2] : memref<2x327680xi32, #tpu.memory_space<hbm>> -> memref<1x10240xi32, #tpu.memory_space<hbm>>
      %dma_start3A_185 = tpu.memref_squeeze %dma_start3A_184 : memref<1x10240xi32, #tpu.memory_space<hbm>> -> memref<10240xi32, #tpu.memory_space<hbm>>
      tpu.enqueue_dma source(%dma_start3A_185 : memref<10240xi32, #tpu.memory_space<hbm>>) target(%dma_start3A_183 : memref<10240xi32, #tpu.memory_space<vmem>>) target_semaphore(%run_scoped3A_178 : memref<!tpu.dma_semaphore, #tpu.memory_space<semaphore_mem>>)
      %dma_wait3A = arith.constant 0 : i32
      %dma_wait3A_186 = tpu.memref_slice %arg7[%dma_wait3A] : memref<10512xi32, #tpu.memory_space<vmem>> -> memref<10240xi32, #tpu.memory_space<vmem>>
      %dma_wait3A_187 = tpu.memref_slice %arg3[%run_scoped3A_18, %mul3A_2] : memref<2x327680xi32, #tpu.memory_space<hbm>> -> memref<1x10240xi32, #tpu.memory_space<hbm>>
      %dma_wait3A_188 = tpu.memref_squeeze %dma_wait3A_187 : memref<1x10240xi32, #tpu.memory_space<hbm>> -> memref<10240xi32, #tpu.memory_space<hbm>>
      %dma_wait3A_189 = arith.constant 0 : i32
      %dma_wait3A_190 = tpu.memref_slice %arg7[%dma_wait3A_189] : memref<10512xi32, #tpu.memory_space<vmem>> -> memref<10240xi32, #tpu.memory_space<vmem>>
      %dma_wait3A_191 = tpu.memref_slice %arg3[%run_scoped3A_18, %mul3A_2] : memref<2x327680xi32, #tpu.memory_space<hbm>> -> memref<1x10240xi32, #tpu.memory_space<hbm>>
      %dma_wait3A_192 = tpu.memref_squeeze %dma_wait3A_191 : memref<1x10240xi32, #tpu.memory_space<hbm>> -> memref<10240xi32, #tpu.memory_space<hbm>>
      tpu.wait_dma2 semaphore(%run_scoped3A_178 : memref<!tpu.dma_semaphore, #tpu.memory_space<semaphore_mem>>) src(%dma_wait3A_192 : memref<10240xi32, #tpu.memory_space<hbm>>) dst(%dma_wait3A_190 : memref<10240xi32, #tpu.memory_space<vmem>>)
      tpu.yield
    }) : () -> ()
    %scan3A_19 = arith.constant 0 : i32
    %scan3A_20 = arith.constant 0 : i32
    %scan3A_21 = arith.constant 640 : i32
    %scan3A_22 = arith.addi %scan3A_20, %scan3A_21 : i32
    %scan3A_23 = arith.constant 1 : i32
    scf.for %scan3A_178 = %scan3A_20 to %scan3A_22 step %scan3A_23  : i32 {
      %mul3A_179 = arith.constant 16 : i32
      %mul3A_180 = arith.muli %scan3A_178, %mul3A_179 : i32
      %get3A = arith.index_cast %mul3A_180 : i32 to index
      %get3A_181 = tpu.vector_load %arg6[%get3A] {strides = array<i32>} : memref<10512xi32, #tpu.memory_space<vmem>>, vector<16xi32>,
      %get3A_182 = vector.shape_cast %get3A_181 : vector<16xi32> to vector<16xi32>
      %mul3A_183 = arith.constant 16 : i32
      %mul3A_184 = arith.muli %scan3A_178, %mul3A_183 : i32
      %get3A_185 = arith.index_cast %mul3A_184 : i32 to index
      %get3A_186 = tpu.vector_load %arg7[%get3A_185] {strides = array<i32>} : memref<10512xi32, #tpu.memory_space<vmem>>, vector<16xi32>,
      %get3A_187 = vector.shape_cast %get3A_186 : vector<16xi32> to vector<16xi32>
      %mul3A_188 = arith.constant 8192 : i32
      %mul3A_189 = vector.broadcast %mul3A_188 : i32 to vector<16xi32>
      %mul3A_190 = arith.muli %get3A_182, %mul3A_189 : vector<16xi32>
      %add3A_191 = arith.addi %mul3A_190, %get3A_187 : vector<16xi32>
      %mul3A_192 = arith.constant 16 : i32
      %mul3A_193 = arith.muli %scan3A_178, %mul3A_192 : i32
      %swap3A_194 = arith.index_cast %mul3A_193 : i32 to index
      %swap3A_195 = tpu.vector_load %arg8[%swap3A_194] {strides = array<i32>} : memref<10512xi32, #tpu.memory_space<vmem>>, vector<16xi32>,
      %swap3A_196 = vector.shape_cast %swap3A_195 : vector<16xi32> to vector<16xi32>
      %swap3A_197 = vector.shape_cast %add3A_191 : vector<16xi32> to vector<16xi32>
      tpu.vector_store %arg8[%swap3A_194], %swap3A_197 {strides = array<i32>} : memref<10512xi32, #tpu.memory_space<vmem>>, vector<16xi32>,
    }
    %scan3A_24 = arith.constant 640 : i32
    %scan3A_25 = arith.constant 0 : i32
    %scan3A_26 = arith.constant 0 : i32
    %scan3A_27 = arith.constant 640 : i32
    %scan3A_28 = arith.addi %scan3A_26, %scan3A_27 : i32
    %scan3A_29 = arith.constant 1 : i32
    %scan3A_30 = scf.for %scan3A_178 = %scan3A_26 to %scan3A_28 step %scan3A_29 iter_args(%scan3A_179 = %scan3A_25) -> (i32)  : i32 {
      %mul3A_180 = arith.constant 16 : i32
      %mul3A_181 = arith.muli %scan3A_178, %mul3A_180 : i32
      %get3A = arith.index_cast %mul3A_181 : i32 to index
      %get3A_182 = tpu.vector_load %arg8[%get3A] {strides = array<i32>} : memref<10512xi32, #tpu.memory_space<vmem>>, vector<16xi32>,
      %get3A_183 = vector.shape_cast %get3A_182 : vector<16xi32> to vector<16xi32>
      %slice3A = vector.extract_strided_slice %get3A_183 {offsets = [0], sizes = [1], strides = [1]} : vector<16xi32> to vector<1xi32>
      %squeeze3A = vector.extract %slice3A[0] : i32 from vector<1xi32>
      %broadcast_in_dim3A_184 = vector.broadcast %squeeze3A : i32 to vector<16xi32>
      %swap3A_185 = arith.index_cast %scan3A_179 : i32 to index
      %swap3A_186 = tpu.vector_load %arg6[%swap3A_185] {strides = array<i32>} : memref<10512xi32, #tpu.memory_space<vmem>>, vector<16xi32>,
      %swap3A_187 = vector.shape_cast %swap3A_186 : vector<16xi32> to vector<16xi32>
      %swap3A_188 = vector.shape_cast %broadcast_in_dim3A_184 : vector<16xi32> to vector<16xi32>
      tpu.vector_store %arg6[%swap3A_185], %swap3A_188 {strides = array<i32>} : memref<10512xi32, #tpu.memory_space<vmem>>, vector<16xi32>,
      %and3A_189 = arith.constant 8191 : i32
      %and3A_190 = arith.andi %squeeze3A, %and3A_189 : i32
      %lt3A = arith.constant 1000 : i32
      %lt3A_191 = arith.cmpi slt, %and3A_190, %lt3A : i32
      %jit3A_192 = arith.constant 1 : i32
      %jit3A_193 = arith.constant 0 : i32
      %select_n3A_194 = arith.select %lt3A_191, %jit3A_192, %jit3A_193 : i32
      %add3A_195 = arith.addi %scan3A_179, %select_n3A_194 : i32
      %slice3A_196 = vector.extract_strided_slice %get3A_183 {offsets = [1], sizes = [1], strides = [1]} : vector<16xi32> to vector<1xi32>
      %squeeze3A_197 = vector.extract %slice3A_196[0] : i32 from vector<1xi32>
      %broadcast_in_dim3A_198 = vector.broadcast %squeeze3A_197 : i32 to vector<16xi32>
      %swap3A_199 = arith.index_cast %add3A_195 : i32 to index
      %swap3A_200 = tpu.vector_load %arg6[%swap3A_199] {strides = array<i32>} : memref<10512xi32, #tpu.memory_space<vmem>>, vector<16xi32>,
      %swap3A_201 = vector.shape_cast %swap3A_200 : vector<16xi32> to vector<16xi32>
      %swap3A_202 = vector.shape_cast %broadcast_in_dim3A_198 : vector<16xi32> to vector<16xi32>
      tpu.vector_store %arg6[%swap3A_199], %swap3A_202 {strides = array<i32>} : memref<10512xi32, #tpu.memory_space<vmem>>, vector<16xi32>,
      %and3A_203 = arith.constant 8191 : i32
      %and3A_204 = arith.andi %squeeze3A_197, %and3A_203 : i32
      %lt3A_205 = arith.constant 1000 : i32
      %lt3A_206 = arith.cmpi slt, %and3A_204, %lt3A_205 : i32
      %jit3A_207 = arith.constant 1 : i32
      %jit3A_208 = arith.constant 0 : i32
      %select_n3A_209 = arith.select %lt3A_206, %jit3A_207, %jit3A_208 : i32
      %add3A_210 = arith.addi %add3A_195, %select_n3A_209 : i32
      %slice3A_211 = vector.extract_strided_slice %get3A_183 {offsets = [2], sizes = [1], strides = [1]} : vector<16xi32> to vector<1xi32>
      %squeeze3A_212 = vector.extract %slice3A_211[0] : i32 from vector<1xi32>
      %broadcast_in_dim3A_213 = vector.broadcast %squeeze3A_212 : i32 to vector<16xi32>
      %swap3A_214 = arith.index_cast %add3A_210 : i32 to index
      %swap3A_215 = tpu.vector_load %arg6[%swap3A_214] {strides = array<i32>} : memref<10512xi32, #tpu.memory_space<vmem>>, vector<16xi32>,
      %swap3A_216 = vector.shape_cast %swap3A_215 : vector<16xi32> to vector<16xi32>
      %swap3A_217 = vector.shape_cast %broadcast_in_dim3A_213 : vector<16xi32> to vector<16xi32>
      tpu.vector_store %arg6[%swap3A_214], %swap3A_217 {strides = array<i32>} : memref<10512xi32, #tpu.memory_space<vmem>>, vector<16xi32>,
      %and3A_218 = arith.constant 8191 : i32
      %and3A_219 = arith.andi %squeeze3A_212, %and3A_218 : i32
      %lt3A_220 = arith.constant 1000 : i32
      %lt3A_221 = arith.cmpi slt, %and3A_219, %lt3A_220 : i32
      %jit3A_222 = arith.constant 1 : i32
      %jit3A_223 = arith.constant 0 : i32
      %select_n3A_224 = arith.select %lt3A_221, %jit3A_222, %jit3A_223 : i32
      %add3A_225 = arith.addi %add3A_210, %select_n3A_224 : i32
      %slice3A_226 = vector.extract_strided_slice %get3A_183 {offsets = [3], sizes = [1], strides = [1]} : vector<16xi32> to vector<1xi32>
      %squeeze3A_227 = vector.extract %slice3A_226[0] : i32 from vector<1xi32>
      %broadcast_in_dim3A_228 = vector.broadcast %squeeze3A_227 : i32 to vector<16xi32>
      %swap3A_229 = arith.index_cast %add3A_225 : i32 to index
      %swap3A_230 = tpu.vector_load %arg6[%swap3A_229] {strides = array<i32>} : memref<10512xi32, #tpu.memory_space<vmem>>, vector<16xi32>,
      %swap3A_231 = vector.shape_cast %swap3A_230 : vector<16xi32> to vector<16xi32>
      %swap3A_232 = vector.shape_cast %broadcast_in_dim3A_228 : vector<16xi32> to vector<16xi32>
      tpu.vector_store %arg6[%swap3A_229], %swap3A_232 {strides = array<i32>} : memref<10512xi32, #tpu.memory_space<vmem>>, vector<16xi32>,
      %and3A_233 = arith.constant 8191 : i32
      %and3A_234 = arith.andi %squeeze3A_227, %and3A_233 : i32
      %lt3A_235 = arith.constant 1000 : i32
      %lt3A_236 = arith.cmpi slt, %and3A_234, %lt3A_235 : i32
      %jit3A_237 = arith.constant 1 : i32
      %jit3A_238 = arith.constant 0 : i32
      %select_n3A_239 = arith.select %lt3A_236, %jit3A_237, %jit3A_238 : i32
      %add3A_240 = arith.addi %add3A_225, %select_n3A_239 : i32
      %slice3A_241 = vector.extract_strided_slice %get3A_183 {offsets = [4], sizes = [1], strides = [1]} : vector<16xi32> to vector<1xi32>
      %squeeze3A_242 = vector.extract %slice3A_241[0] : i32 from vector<1xi32>
      %broadcast_in_dim3A_243 = vector.broadcast %squeeze3A_242 : i32 to vector<16xi32>
      %swap3A_244 = arith.index_cast %add3A_240 : i32 to index
      %swap3A_245 = tpu.vector_load %arg6[%swap3A_244] {strides = array<i32>} : memref<10512xi32, #tpu.memory_space<vmem>>, vector<16xi32>,
      %swap3A_246 = vector.shape_cast %swap3A_245 : vector<16xi32> to vector<16xi32>
      %swap3A_247 = vector.shape_cast %broadcast_in_dim3A_243 : vector<16xi32> to vector<16xi32>
      tpu.vector_store %arg6[%swap3A_244], %swap3A_247 {strides = array<i32>} : memref<10512xi32, #tpu.memory_space<vmem>>, vector<16xi32>,
      %and3A_248 = arith.constant 8191 : i32
      %and3A_249 = arith.andi %squeeze3A_242, %and3A_248 : i32
      %lt3A_250 = arith.constant 1000 : i32
      %lt3A_251 = arith.cmpi slt, %and3A_249, %lt3A_250 : i32
      %jit3A_252 = arith.constant 1 : i32
      %jit3A_253 = arith.constant 0 : i32
      %select_n3A_254 = arith.select %lt3A_251, %jit3A_252, %jit3A_253 : i32
      %add3A_255 = arith.addi %add3A_240, %select_n3A_254 : i32
      %slice3A_256 = vector.extract_strided_slice %get3A_183 {offsets = [5], sizes = [1], strides = [1]} : vector<16xi32> to vector<1xi32>
      %squeeze3A_257 = vector.extract %slice3A_256[0] : i32 from vector<1xi32>
      %broadcast_in_dim3A_258 = vector.broadcast %squeeze3A_257 : i32 to vector<16xi32>
      %swap3A_259 = arith.index_cast %add3A_255 : i32 to index
      %swap3A_260 = tpu.vector_load %arg6[%swap3A_259] {strides = array<i32>} : memref<10512xi32, #tpu.memory_space<vmem>>, vector<16xi32>,
      %swap3A_261 = vector.shape_cast %swap3A_260 : vector<16xi32> to vector<16xi32>
      %swap3A_262 = vector.shape_cast %broadcast_in_dim3A_258 : vector<16xi32> to vector<16xi32>
      tpu.vector_store %arg6[%swap3A_259], %swap3A_262 {strides = array<i32>} : memref<10512xi32, #tpu.memory_space<vmem>>, vector<16xi32>,
      %and3A_263 = arith.constant 8191 : i32
      %and3A_264 = arith.andi %squeeze3A_257, %and3A_263 : i32
      %lt3A_265 = arith.constant 1000 : i32
      %lt3A_266 = arith.cmpi slt, %and3A_264, %lt3A_265 : i32
      %jit3A_267 = arith.constant 1 : i32
      %jit3A_268 = arith.constant 0 : i32
      %select_n3A_269 = arith.select %lt3A_266, %jit3A_267, %jit3A_268 : i32
      %add3A_270 = arith.addi %add3A_255, %select_n3A_269 : i32
      %slice3A_271 = vector.extract_strided_slice %get3A_183 {offsets = [6], sizes = [1], strides = [1]} : vector<16xi32> to vector<1xi32>
      %squeeze3A_272 = vector.extract %slice3A_271[0] : i32 from vector<1xi32>
      %broadcast_in_dim3A_273 = vector.broadcast %squeeze3A_272 : i32 to vector<16xi32>
      %swap3A_274 = arith.index_cast %add3A_270 : i32 to index
      %swap3A_275 = tpu.vector_load %arg6[%swap3A_274] {strides = array<i32>} : memref<10512xi32, #tpu.memory_space<vmem>>, vector<16xi32>,
      %swap3A_276 = vector.shape_cast %swap3A_275 : vector<16xi32> to vector<16xi32>
      %swap3A_277 = vector.shape_cast %broadcast_in_dim3A_273 : vector<16xi32> to vector<16xi32>
      tpu.vector_store %arg6[%swap3A_274], %swap3A_277 {strides = array<i32>} : memref<10512xi32, #tpu.memory_space<vmem>>, vector<16xi32>,
      %and3A_278 = arith.constant 8191 : i32
      %and3A_279 = arith.andi %squeeze3A_272, %and3A_278 : i32
      %lt3A_280 = arith.constant 1000 : i32
      %lt3A_281 = arith.cmpi slt, %and3A_279, %lt3A_280 : i32
      %jit3A_282 = arith.constant 1 : i32
      %jit3A_283 = arith.constant 0 : i32
      %select_n3A_284 = arith.select %lt3A_281, %jit3A_282, %jit3A_283 : i32
      %add3A_285 = arith.addi %add3A_270, %select_n3A_284 : i32
      %slice3A_286 = vector.extract_strided_slice %get3A_183 {offsets = [7], sizes = [1], strides = [1]} : vector<16xi32> to vector<1xi32>
      %squeeze3A_287 = vector.extract %slice3A_286[0] : i32 from vector<1xi32>
      %broadcast_in_dim3A_288 = vector.broadcast %squeeze3A_287 : i32 to vector<16xi32>
      %swap3A_289 = arith.index_cast %add3A_285 : i32 to index
      %swap3A_290 = tpu.vector_load %arg6[%swap3A_289] {strides = array<i32>} : memref<10512xi32, #tpu.memory_space<vmem>>, vector<16xi32>,
      %swap3A_291 = vector.shape_cast %swap3A_290 : vector<16xi32> to vector<16xi32>
      %swap3A_292 = vector.shape_cast %broadcast_in_dim3A_288 : vector<16xi32> to vector<16xi32>
      tpu.vector_store %arg6[%swap3A_289], %swap3A_292 {strides = array<i32>} : memref<10512xi32, #tpu.memory_space<vmem>>, vector<16xi32>,
      %and3A_293 = arith.constant 8191 : i32
      %and3A_294 = arith.andi %squeeze3A_287, %and3A_293 : i32
      %lt3A_295 = arith.constant 1000 : i32
      %lt3A_296 = arith.cmpi slt, %and3A_294, %lt3A_295 : i32
      %jit3A_297 = arith.constant 1 : i32
      %jit3A_298 = arith.constant 0 : i32
      %select_n3A_299 = arith.select %lt3A_296, %jit3A_297, %jit3A_298 : i32
      %add3A_300 = arith.addi %add3A_285, %select_n3A_299 : i32
      %slice3A_301 = vector.extract_strided_slice %get3A_183 {offsets = [8], sizes = [1], strides = [1]} : vector<16xi32> to vector<1xi32>
      %squeeze3A_302 = vector.extract %slice3A_301[0] : i32 from vector<1xi32>
      %broadcast_in_dim3A_303 = vector.broadcast %squeeze3A_302 : i32 to vector<16xi32>
      %swap3A_304 = arith.index_cast %add3A_300 : i32 to index
      %swap3A_305 = tpu.vector_load %arg6[%swap3A_304] {strides = array<i32>} : memref<10512xi32, #tpu.memory_space<vmem>>, vector<16xi32>,
      %swap3A_306 = vector.shape_cast %swap3A_305 : vector<16xi32> to vector<16xi32>
      %swap3A_307 = vector.shape_cast %broadcast_in_dim3A_303 : vector<16xi32> to vector<16xi32>
      tpu.vector_store %arg6[%swap3A_304], %swap3A_307 {strides = array<i32>} : memref<10512xi32, #tpu.memory_space<vmem>>, vector<16xi32>,
      %and3A_308 = arith.constant 8191 : i32
      %and3A_309 = arith.andi %squeeze3A_302, %and3A_308 : i32
      %lt3A_310 = arith.constant 1000 : i32
      %lt3A_311 = arith.cmpi slt, %and3A_309, %lt3A_310 : i32
      %jit3A_312 = arith.constant 1 : i32
      %jit3A_313 = arith.constant 0 : i32
      %select_n3A_314 = arith.select %lt3A_311, %jit3A_312, %jit3A_313 : i32
      %add3A_315 = arith.addi %add3A_300, %select_n3A_314 : i32
      %slice3A_316 = vector.extract_strided_slice %get3A_183 {offsets = [9], sizes = [1], strides = [1]} : vector<16xi32> to vector<1xi32>
      %squeeze3A_317 = vector.extract %slice3A_316[0] : i32 from vector<1xi32>
      %broadcast_in_dim3A_318 = vector.broadcast %squeeze3A_317 : i32 to vector<16xi32>
      %swap3A_319 = arith.index_cast %add3A_315 : i32 to index
      %swap3A_320 = tpu.vector_load %arg6[%swap3A_319] {strides = array<i32>} : memref<10512xi32, #tpu.memory_space<vmem>>, vector<16xi32>,
      %swap3A_321 = vector.shape_cast %swap3A_320 : vector<16xi32> to vector<16xi32>
      %swap3A_322 = vector.shape_cast %broadcast_in_dim3A_318 : vector<16xi32> to vector<16xi32>
      tpu.vector_store %arg6[%swap3A_319], %swap3A_322 {strides = array<i32>} : memref<10512xi32, #tpu.memory_space<vmem>>, vector<16xi32>,
      %and3A_323 = arith.constant 8191 : i32
      %and3A_324 = arith.andi %squeeze3A_317, %and3A_323 : i32
      %lt3A_325 = arith.constant 1000 : i32
      %lt3A_326 = arith.cmpi slt, %and3A_324, %lt3A_325 : i32
      %jit3A_327 = arith.constant 1 : i32
      %jit3A_328 = arith.constant 0 : i32
      %select_n3A_329 = arith.select %lt3A_326, %jit3A_327, %jit3A_328 : i32
      %add3A_330 = arith.addi %add3A_315, %select_n3A_329 : i32
      %slice3A_331 = vector.extract_strided_slice %get3A_183 {offsets = [10], sizes = [1], strides = [1]} : vector<16xi32> to vector<1xi32>
      %squeeze3A_332 = vector.extract %slice3A_331[0] : i32 from vector<1xi32>
      %broadcast_in_dim3A_333 = vector.broadcast %squeeze3A_332 : i32 to vector<16xi32>
      %swap3A_334 = arith.index_cast %add3A_330 : i32 to index
      %swap3A_335 = tpu.vector_load %arg6[%swap3A_334] {strides = array<i32>} : memref<10512xi32, #tpu.memory_space<vmem>>, vector<16xi32>,
      %swap3A_336 = vector.shape_cast %swap3A_335 : vector<16xi32> to vector<16xi32>
      %swap3A_337 = vector.shape_cast %broadcast_in_dim3A_333 : vector<16xi32> to vector<16xi32>
      tpu.vector_store %arg6[%swap3A_334], %swap3A_337 {strides = array<i32>} : memref<10512xi32, #tpu.memory_space<vmem>>, vector<16xi32>,
      %and3A_338 = arith.constant 8191 : i32
      %and3A_339 = arith.andi %squeeze3A_332, %and3A_338 : i32
      %lt3A_340 = arith.constant 1000 : i32
      %lt3A_341 = arith.cmpi slt, %and3A_339, %lt3A_340 : i32
      %jit3A_342 = arith.constant 1 : i32
      %jit3A_343 = arith.constant 0 : i32
      %select_n3A_344 = arith.select %lt3A_341, %jit3A_342, %jit3A_343 : i32
      %add3A_345 = arith.addi %add3A_330, %select_n3A_344 : i32
      %slice3A_346 = vector.extract_strided_slice %get3A_183 {offsets = [11], sizes = [1], strides = [1]} : vector<16xi32> to vector<1xi32>
      %squeeze3A_347 = vector.extract %slice3A_346[0] : i32 from vector<1xi32>
      %broadcast_in_dim3A_348 = vector.broadcast %squeeze3A_347 : i32 to vector<16xi32>
      %swap3A_349 = arith.index_cast %add3A_345 : i32 to index
      %swap3A_350 = tpu.vector_load %arg6[%swap3A_349] {strides = array<i32>} : memref<10512xi32, #tpu.memory_space<vmem>>, vector<16xi32>,
      %swap3A_351 = vector.shape_cast %swap3A_350 : vector<16xi32> to vector<16xi32>
      %swap3A_352 = vector.shape_cast %broadcast_in_dim3A_348 : vector<16xi32> to vector<16xi32>
      tpu.vector_store %arg6[%swap3A_349], %swap3A_352 {strides = array<i32>} : memref<10512xi32, #tpu.memory_space<vmem>>, vector<16xi32>,
      %and3A_353 = arith.constant 8191 : i32
      %and3A_354 = arith.andi %squeeze3A_347, %and3A_353 : i32
      %lt3A_355 = arith.constant 1000 : i32
      %lt3A_356 = arith.cmpi slt, %and3A_354, %lt3A_355 : i32
      %jit3A_357 = arith.constant 1 : i32
      %jit3A_358 = arith.constant 0 : i32
      %select_n3A_359 = arith.select %lt3A_356, %jit3A_357, %jit3A_358 : i32
      %add3A_360 = arith.addi %add3A_345, %select_n3A_359 : i32
      %slice3A_361 = vector.extract_strided_slice %get3A_183 {offsets = [12], sizes = [1], strides = [1]} : vector<16xi32> to vector<1xi32>
      %squeeze3A_362 = vector.extract %slice3A_361[0] : i32 from vector<1xi32>
      %broadcast_in_dim3A_363 = vector.broadcast %squeeze3A_362 : i32 to vector<16xi32>
      %swap3A_364 = arith.index_cast %add3A_360 : i32 to index
      %swap3A_365 = tpu.vector_load %arg6[%swap3A_364] {strides = array<i32>} : memref<10512xi32, #tpu.memory_space<vmem>>, vector<16xi32>,
      %swap3A_366 = vector.shape_cast %swap3A_365 : vector<16xi32> to vector<16xi32>
      %swap3A_367 = vector.shape_cast %broadcast_in_dim3A_363 : vector<16xi32> to vector<16xi32>
      tpu.vector_store %arg6[%swap3A_364], %swap3A_367 {strides = array<i32>} : memref<10512xi32, #tpu.memory_space<vmem>>, vector<16xi32>,
      %and3A_368 = arith.constant 8191 : i32
      %and3A_369 = arith.andi %squeeze3A_362, %and3A_368 : i32
      %lt3A_370 = arith.constant 1000 : i32
      %lt3A_371 = arith.cmpi slt, %and3A_369, %lt3A_370 : i32
      %jit3A_372 = arith.constant 1 : i32
      %jit3A_373 = arith.constant 0 : i32
      %select_n3A_374 = arith.select %lt3A_371, %jit3A_372, %jit3A_373 : i32
      %add3A_375 = arith.addi %add3A_360, %select_n3A_374 : i32
      %slice3A_376 = vector.extract_strided_slice %get3A_183 {offsets = [13], sizes = [1], strides = [1]} : vector<16xi32> to vector<1xi32>
      %squeeze3A_377 = vector.extract %slice3A_376[0] : i32 from vector<1xi32>
      %broadcast_in_dim3A_378 = vector.broadcast %squeeze3A_377 : i32 to vector<16xi32>
      %swap3A_379 = arith.index_cast %add3A_375 : i32 to index
      %swap3A_380 = tpu.vector_load %arg6[%swap3A_379] {strides = array<i32>} : memref<10512xi32, #tpu.memory_space<vmem>>, vector<16xi32>,
      %swap3A_381 = vector.shape_cast %swap3A_380 : vector<16xi32> to vector<16xi32>
      %swap3A_382 = vector.shape_cast %broadcast_in_dim3A_378 : vector<16xi32> to vector<16xi32>
      tpu.vector_store %arg6[%swap3A_379], %swap3A_382 {strides = array<i32>} : memref<10512xi32, #tpu.memory_space<vmem>>, vector<16xi32>,
      %and3A_383 = arith.constant 8191 : i32
      %and3A_384 = arith.andi %squeeze3A_377, %and3A_383 : i32
      %lt3A_385 = arith.constant 1000 : i32
      %lt3A_386 = arith.cmpi slt, %and3A_384, %lt3A_385 : i32
      %jit3A_387 = arith.constant 1 : i32
      %jit3A_388 = arith.constant 0 : i32
      %select_n3A_389 = arith.select %lt3A_386, %jit3A_387, %jit3A_388 : i32
      %add3A_390 = arith.addi %add3A_375, %select_n3A_389 : i32
      %slice3A_391 = vector.extract_strided_slice %get3A_183 {offsets = [14], sizes = [1], strides = [1]} : vector<16xi32> to vector<1xi32>
      %squeeze3A_392 = vector.extract %slice3A_391[0] : i32 from vector<1xi32>
      %broadcast_in_dim3A_393 = vector.broadcast %squeeze3A_392 : i32 to vector<16xi32>
      %swap3A_394 = arith.index_cast %add3A_390 : i32 to index
      %swap3A_395 = tpu.vector_load %arg6[%swap3A_394] {strides = array<i32>} : memref<10512xi32, #tpu.memory_space<vmem>>, vector<16xi32>,
      %swap3A_396 = vector.shape_cast %swap3A_395 : vector<16xi32> to vector<16xi32>
      %swap3A_397 = vector.shape_cast %broadcast_in_dim3A_393 : vector<16xi32> to vector<16xi32>
      tpu.vector_store %arg6[%swap3A_394], %swap3A_397 {strides = array<i32>} : memref<10512xi32, #tpu.memory_space<vmem>>, vector<16xi32>,
      %and3A_398 = arith.constant 8191 : i32
      %and3A_399 = arith.andi %squeeze3A_392, %and3A_398 : i32
      %lt3A_400 = arith.constant 1000 : i32
      %lt3A_401 = arith.cmpi slt, %and3A_399, %lt3A_400 : i32
      %jit3A_402 = arith.constant 1 : i32
      %jit3A_403 = arith.constant 0 : i32
      %select_n3A_404 = arith.select %lt3A_401, %jit3A_402, %jit3A_403 : i32
      %add3A_405 = arith.addi %add3A_390, %select_n3A_404 : i32
      %slice3A_406 = vector.extract_strided_slice %get3A_183 {offsets = [15], sizes = [1], strides = [1]} : vector<16xi32> to vector<1xi32>
      %squeeze3A_407 = vector.extract %slice3A_406[0] : i32 from vector<1xi32>
      %broadcast_in_dim3A_408 = vector.broadcast %squeeze3A_407 : i32 to vector<16xi32>
      %swap3A_409 = arith.index_cast %add3A_405 : i32 to index
      %swap3A_410 = tpu.vector_load %arg6[%swap3A_409] {strides = array<i32>} : memref<10512xi32, #tpu.memory_space<vmem>>, vector<16xi32>,
      %swap3A_411 = vector.shape_cast %swap3A_410 : vector<16xi32> to vector<16xi32>
      %swap3A_412 = vector.shape_cast %broadcast_in_dim3A_408 : vector<16xi32> to vector<16xi32>
      tpu.vector_store %arg6[%swap3A_409], %swap3A_412 {strides = array<i32>} : memref<10512xi32, #tpu.memory_space<vmem>>, vector<16xi32>,
      %and3A_413 = arith.constant 8191 : i32
      %and3A_414 = arith.andi %squeeze3A_407, %and3A_413 : i32
      %lt3A_415 = arith.constant 1000 : i32
      %lt3A_416 = arith.cmpi slt, %and3A_414, %lt3A_415 : i32
      %jit3A_417 = arith.constant 1 : i32
      %jit3A_418 = arith.constant 0 : i32
      %select_n3A_419 = arith.select %lt3A_416, %jit3A_417, %jit3A_418 : i32
      %add3A_420 = arith.addi %add3A_405, %select_n3A_419 : i32
      scf.yield %add3A_420 : i32
    }
    %scan3A_31 = arith.constant 640 : i32
    %broadcast_in_dim3A = arith.constant 1000 : i32
    %broadcast_in_dim3A_32 = vector.broadcast %broadcast_in_dim3A : i32 to vector<16xi32>
    %add3A_33 = arith.constant 0 : i32
    %add3A_34 = arith.addi %scan3A_30, %add3A_33 : i32
    %swap3A = arith.index_cast %add3A_34 : i32 to index
    %swap3A_35 = tpu.vector_load %arg6[%swap3A] {strides = array<i32>} : memref<10512xi32, #tpu.memory_space<vmem>>, vector<16xi32>,
    %swap3A_36 = vector.shape_cast %swap3A_35 : vector<16xi32> to vector<16xi32>
    %swap3A_37 = vector.shape_cast %broadcast_in_dim3A_32 : vector<16xi32> to vector<16xi32>
    tpu.vector_store %arg6[%swap3A], %swap3A_37 {strides = array<i32>} : memref<10512xi32, #tpu.memory_space<vmem>>, vector<16xi32>,
    %add3A_38 = arith.constant 16 : i32
    %add3A_39 = arith.addi %scan3A_30, %add3A_38 : i32
    %swap3A_40 = arith.index_cast %add3A_39 : i32 to index
    %swap3A_41 = tpu.vector_load %arg6[%swap3A_40] {strides = array<i32>} : memref<10512xi32, #tpu.memory_space<vmem>>, vector<16xi32>,
    %swap3A_42 = vector.shape_cast %swap3A_41 : vector<16xi32> to vector<16xi32>
    %swap3A_43 = vector.shape_cast %broadcast_in_dim3A_32 : vector<16xi32> to vector<16xi32>
    tpu.vector_store %arg6[%swap3A_40], %swap3A_43 {strides = array<i32>} : memref<10512xi32, #tpu.memory_space<vmem>>, vector<16xi32>,
    %add3A_44 = arith.constant 32 : i32
    %add3A_45 = arith.addi %scan3A_30, %add3A_44 : i32
    %swap3A_46 = arith.index_cast %add3A_45 : i32 to index
    %swap3A_47 = tpu.vector_load %arg6[%swap3A_46] {strides = array<i32>} : memref<10512xi32, #tpu.memory_space<vmem>>, vector<16xi32>,
    %swap3A_48 = vector.shape_cast %swap3A_47 : vector<16xi32> to vector<16xi32>
    %swap3A_49 = vector.shape_cast %broadcast_in_dim3A_32 : vector<16xi32> to vector<16xi32>
    tpu.vector_store %arg6[%swap3A_46], %swap3A_49 {strides = array<i32>} : memref<10512xi32, #tpu.memory_space<vmem>>, vector<16xi32>,
    %add3A_50 = arith.constant 48 : i32
    %add3A_51 = arith.addi %scan3A_30, %add3A_50 : i32
    %swap3A_52 = arith.index_cast %add3A_51 : i32 to index
    %swap3A_53 = tpu.vector_load %arg6[%swap3A_52] {strides = array<i32>} : memref<10512xi32, #tpu.memory_space<vmem>>, vector<16xi32>,
    %swap3A_54 = vector.shape_cast %swap3A_53 : vector<16xi32> to vector<16xi32>
    %swap3A_55 = vector.shape_cast %broadcast_in_dim3A_32 : vector<16xi32> to vector<16xi32>
    tpu.vector_store %arg6[%swap3A_52], %swap3A_55 {strides = array<i32>} : memref<10512xi32, #tpu.memory_space<vmem>>, vector<16xi32>,
    %add3A_56 = arith.constant 64 : i32
    %add3A_57 = arith.addi %scan3A_30, %add3A_56 : i32
    %swap3A_58 = arith.index_cast %add3A_57 : i32 to index
    %swap3A_59 = tpu.vector_load %arg6[%swap3A_58] {strides = array<i32>} : memref<10512xi32, #tpu.memory_space<vmem>>, vector<16xi32>,
    %swap3A_60 = vector.shape_cast %swap3A_59 : vector<16xi32> to vector<16xi32>
    %swap3A_61 = vector.shape_cast %broadcast_in_dim3A_32 : vector<16xi32> to vector<16xi32>
    tpu.vector_store %arg6[%swap3A_58], %swap3A_61 {strides = array<i32>} : memref<10512xi32, #tpu.memory_space<vmem>>, vector<16xi32>,
    %add3A_62 = arith.constant 80 : i32
    %add3A_63 = arith.addi %scan3A_30, %add3A_62 : i32
    %swap3A_64 = arith.index_cast %add3A_63 : i32 to index
    %swap3A_65 = tpu.vector_load %arg6[%swap3A_64] {strides = array<i32>} : memref<10512xi32, #tpu.memory_space<vmem>>, vector<16xi32>,
    %swap3A_66 = vector.shape_cast %swap3A_65 : vector<16xi32> to vector<16xi32>
    %swap3A_67 = vector.shape_cast %broadcast_in_dim3A_32 : vector<16xi32> to vector<16xi32>
    tpu.vector_store %arg6[%swap3A_64], %swap3A_67 {strides = array<i32>} : memref<10512xi32, #tpu.memory_space<vmem>>, vector<16xi32>,
    %add3A_68 = arith.constant 96 : i32
    %add3A_69 = arith.addi %scan3A_30, %add3A_68 : i32
    %swap3A_70 = arith.index_cast %add3A_69 : i32 to index
    %swap3A_71 = tpu.vector_load %arg6[%swap3A_70] {strides = array<i32>} : memref<10512xi32, #tpu.memory_space<vmem>>, vector<16xi32>,
    %swap3A_72 = vector.shape_cast %swap3A_71 : vector<16xi32> to vector<16xi32>
    %swap3A_73 = vector.shape_cast %broadcast_in_dim3A_32 : vector<16xi32> to vector<16xi32>
    tpu.vector_store %arg6[%swap3A_70], %swap3A_73 {strides = array<i32>} : memref<10512xi32, #tpu.memory_space<vmem>>, vector<16xi32>,
    %add3A_74 = arith.constant 112 : i32
    %add3A_75 = arith.addi %scan3A_30, %add3A_74 : i32
    %swap3A_76 = arith.index_cast %add3A_75 : i32 to index
    %swap3A_77 = tpu.vector_load %arg6[%swap3A_76] {strides = array<i32>} : memref<10512xi32, #tpu.memory_space<vmem>>, vector<16xi32>,
    %swap3A_78 = vector.shape_cast %swap3A_77 : vector<16xi32> to vector<16xi32>
    %swap3A_79 = vector.shape_cast %broadcast_in_dim3A_32 : vector<16xi32> to vector<16xi32>
    tpu.vector_store %arg6[%swap3A_76], %swap3A_79 {strides = array<i32>} : memref<10512xi32, #tpu.memory_space<vmem>>, vector<16xi32>,
    %add3A_80 = arith.constant 128 : i32
    %add3A_81 = arith.addi %scan3A_30, %add3A_80 : i32
    %swap3A_82 = arith.index_cast %add3A_81 : i32 to index
    %swap3A_83 = tpu.vector_load %arg6[%swap3A_82] {strides = array<i32>} : memref<10512xi32, #tpu.memory_space<vmem>>, vector<16xi32>,
    %swap3A_84 = vector.shape_cast %swap3A_83 : vector<16xi32> to vector<16xi32>
    %swap3A_85 = vector.shape_cast %broadcast_in_dim3A_32 : vector<16xi32> to vector<16xi32>
    tpu.vector_store %arg6[%swap3A_82], %swap3A_85 {strides = array<i32>} : memref<10512xi32, #tpu.memory_space<vmem>>, vector<16xi32>,
    %add3A_86 = arith.constant 144 : i32
    %add3A_87 = arith.addi %scan3A_30, %add3A_86 : i32
    %swap3A_88 = arith.index_cast %add3A_87 : i32 to index
    %swap3A_89 = tpu.vector_load %arg6[%swap3A_88] {strides = array<i32>} : memref<10512xi32, #tpu.memory_space<vmem>>, vector<16xi32>,
    %swap3A_90 = vector.shape_cast %swap3A_89 : vector<16xi32> to vector<16xi32>
    %swap3A_91 = vector.shape_cast %broadcast_in_dim3A_32 : vector<16xi32> to vector<16xi32>
    tpu.vector_store %arg6[%swap3A_88], %swap3A_91 {strides = array<i32>} : memref<10512xi32, #tpu.memory_space<vmem>>, vector<16xi32>,
    %add3A_92 = arith.constant 160 : i32
    %add3A_93 = arith.addi %scan3A_30, %add3A_92 : i32
    %swap3A_94 = arith.index_cast %add3A_93 : i32 to index
    %swap3A_95 = tpu.vector_load %arg6[%swap3A_94] {strides = array<i32>} : memref<10512xi32, #tpu.memory_space<vmem>>, vector<16xi32>,
    %swap3A_96 = vector.shape_cast %swap3A_95 : vector<16xi32> to vector<16xi32>
    %swap3A_97 = vector.shape_cast %broadcast_in_dim3A_32 : vector<16xi32> to vector<16xi32>
    tpu.vector_store %arg6[%swap3A_94], %swap3A_97 {strides = array<i32>} : memref<10512xi32, #tpu.memory_space<vmem>>, vector<16xi32>,
    %add3A_98 = arith.constant 176 : i32
    %add3A_99 = arith.addi %scan3A_30, %add3A_98 : i32
    %swap3A_100 = arith.index_cast %add3A_99 : i32 to index
    %swap3A_101 = tpu.vector_load %arg6[%swap3A_100] {strides = array<i32>} : memref<10512xi32, #tpu.memory_space<vmem>>, vector<16xi32>,
    %swap3A_102 = vector.shape_cast %swap3A_101 : vector<16xi32> to vector<16xi32>
    %swap3A_103 = vector.shape_cast %broadcast_in_dim3A_32 : vector<16xi32> to vector<16xi32>
    tpu.vector_store %arg6[%swap3A_100], %swap3A_103 {strides = array<i32>} : memref<10512xi32, #tpu.memory_space<vmem>>, vector<16xi32>,
    %add3A_104 = arith.constant 192 : i32
    %add3A_105 = arith.addi %scan3A_30, %add3A_104 : i32
    %swap3A_106 = arith.index_cast %add3A_105 : i32 to index
    %swap3A_107 = tpu.vector_load %arg6[%swap3A_106] {strides = array<i32>} : memref<10512xi32, #tpu.memory_space<vmem>>, vector<16xi32>,
    %swap3A_108 = vector.shape_cast %swap3A_107 : vector<16xi32> to vector<16xi32>
    %swap3A_109 = vector.shape_cast %broadcast_in_dim3A_32 : vector<16xi32> to vector<16xi32>
    tpu.vector_store %arg6[%swap3A_106], %swap3A_109 {strides = array<i32>} : memref<10512xi32, #tpu.memory_space<vmem>>, vector<16xi32>,
    %add3A_110 = arith.constant 208 : i32
    %add3A_111 = arith.addi %scan3A_30, %add3A_110 : i32
    %swap3A_112 = arith.index_cast %add3A_111 : i32 to index
    %swap3A_113 = tpu.vector_load %arg6[%swap3A_112] {strides = array<i32>} : memref<10512xi32, #tpu.memory_space<vmem>>, vector<16xi32>,
    %swap3A_114 = vector.shape_cast %swap3A_113 : vector<16xi32> to vector<16xi32>
    %swap3A_115 = vector.shape_cast %broadcast_in_dim3A_32 : vector<16xi32> to vector<16xi32>
    tpu.vector_store %arg6[%swap3A_112], %swap3A_115 {strides = array<i32>} : memref<10512xi32, #tpu.memory_space<vmem>>, vector<16xi32>,
    %add3A_116 = arith.constant 224 : i32
    %add3A_117 = arith.addi %scan3A_30, %add3A_116 : i32
    %swap3A_118 = arith.index_cast %add3A_117 : i32 to index
    %swap3A_119 = tpu.vector_load %arg6[%swap3A_118] {strides = array<i32>} : memref<10512xi32, #tpu.memory_space<vmem>>, vector<16xi32>,
    %swap3A_120 = vector.shape_cast %swap3A_119 : vector<16xi32> to vector<16xi32>
    %swap3A_121 = vector.shape_cast %broadcast_in_dim3A_32 : vector<16xi32> to vector<16xi32>
    tpu.vector_store %arg6[%swap3A_118], %swap3A_121 {strides = array<i32>} : memref<10512xi32, #tpu.memory_space<vmem>>, vector<16xi32>,
    %add3A_122 = arith.constant 240 : i32
    %add3A_123 = arith.addi %scan3A_30, %add3A_122 : i32
    %swap3A_124 = arith.index_cast %add3A_123 : i32 to index
    %swap3A_125 = tpu.vector_load %arg6[%swap3A_124] {strides = array<i32>} : memref<10512xi32, #tpu.memory_space<vmem>>, vector<16xi32>,
    %swap3A_126 = vector.shape_cast %swap3A_125 : vector<16xi32> to vector<16xi32>
    %swap3A_127 = vector.shape_cast %broadcast_in_dim3A_32 : vector<16xi32> to vector<16xi32>
    tpu.vector_store %arg6[%swap3A_124], %swap3A_127 {strides = array<i32>} : memref<10512xi32, #tpu.memory_space<vmem>>, vector<16xi32>,
    %add3A_128 = arith.constant 256 : i32
    %add3A_129 = arith.addi %scan3A_30, %add3A_128 : i32
    %swap3A_130 = arith.index_cast %add3A_129 : i32 to index
    %swap3A_131 = tpu.vector_load %arg6[%swap3A_130] {strides = array<i32>} : memref<10512xi32, #tpu.memory_space<vmem>>, vector<16xi32>,
    %swap3A_132 = vector.shape_cast %swap3A_131 : vector<16xi32> to vector<16xi32>
    %swap3A_133 = vector.shape_cast %broadcast_in_dim3A_32 : vector<16xi32> to vector<16xi32>
    tpu.vector_store %arg6[%swap3A_130], %swap3A_133 {strides = array<i32>} : memref<10512xi32, #tpu.memory_space<vmem>>, vector<16xi32>,
    %add3A_134 = arith.constant 256 : i32
    %add3A_135 = arith.addi %scan3A_30, %add3A_134 : i32
    %sub3A = arith.constant 1 : i32
    %sub3A_136 = arith.subi %add3A_135, %sub3A : i32
    %jit3A = arith.constant 256 : i32
    %div3A = arith.divsi %sub3A_136, %jit3A : i32
    %sign3A = arith.constant 0 : i32
    %sign3A_137 = arith.cmpi sgt, %sub3A_136, %sign3A : i32
    %sign3A_138 = arith.extui %sign3A_137 : i1 to i32
    %sign3A_139 = arith.constant 0 : i32
    %sign3A_140 = arith.cmpi slt, %sub3A_136, %sign3A_139 : i32
    %sign3A_141 = arith.extui %sign3A_140 : i1 to i32
    %sign3A_142 = arith.subi %sign3A_138, %sign3A_141 : i32
    %sign3A_143 = arith.constant 0 : i32
    %sign3A_144 = arith.cmpi sgt, %jit3A, %sign3A_143 : i32
    %sign3A_145 = arith.extui %sign3A_144 : i1 to i32
    %sign3A_146 = arith.constant 0 : i32
    %sign3A_147 = arith.cmpi slt, %jit3A, %sign3A_146 : i32
    %sign3A_148 = arith.extui %sign3A_147 : i1 to i32
    %sign3A_149 = arith.subi %sign3A_145, %sign3A_148 : i32
    %ne3A = arith.cmpi ne, %sign3A_142, %sign3A_149 : i32
    %rem3A = arith.remsi %sub3A_136, %jit3A : i32
    %ne3A_150 = arith.constant 0 : i32
    %ne3A_151 = arith.cmpi ne, %rem3A, %ne3A_150 : i32
    %and3A = arith.andi %ne3A, %ne3A_151 : i1
    %sub3A_152 = arith.constant 1 : i32
    %sub3A_153 = arith.subi %div3A, %sub3A_152 : i32
    %select_n3A = arith.select %and3A, %sub3A_153, %div3A : i32
    %scan3A_154 = arith.constant 0 : i32
    %scan3A_155 = arith.constant 0 : i32
    %scan3A_156 = arith.constant 657 : i32
    %scan3A_157 = arith.addi %scan3A_155, %scan3A_156 : i32
    %scan3A_158 = arith.constant 1 : i32
    scf.for %scan3A_178 = %scan3A_155 to %scan3A_157 step %scan3A_158  : i32 {
      %mul3A_179 = arith.constant 16 : i32
      %mul3A_180 = arith.muli %scan3A_178, %mul3A_179 : i32
      %get3A = arith.index_cast %mul3A_180 : i32 to index
      %get3A_181 = tpu.vector_load %arg6[%get3A] {strides = array<i32>} : memref<10512xi32, #tpu.memory_space<vmem>>, vector<16xi32>,
      %get3A_182 = vector.shape_cast %get3A_181 : vector<16xi32> to vector<16xi32>
      %shift_right_arithmetic3A = arith.constant 13 : i32
      %shift_right_arithmetic3A_183 = vector.broadcast %shift_right_arithmetic3A : i32 to vector<16xi32>
      %shift_right_arithmetic3A_184 = arith.shrsi %get3A_182, %shift_right_arithmetic3A_183 : vector<16xi32>
      %mul3A_185 = arith.constant 16 : i32
      %mul3A_186 = arith.muli %scan3A_178, %mul3A_185 : i32
      %swap3A_187 = arith.index_cast %mul3A_186 : i32 to index
      %swap3A_188 = tpu.vector_load %arg6[%swap3A_187] {strides = array<i32>} : memref<10512xi32, #tpu.memory_space<vmem>>, vector<16xi32>,
      %swap3A_189 = vector.shape_cast %swap3A_188 : vector<16xi32> to vector<16xi32>
      %swap3A_190 = vector.shape_cast %shift_right_arithmetic3A_184 : vector<16xi32> to vector<16xi32>
      tpu.vector_store %arg6[%swap3A_187], %swap3A_190 {strides = array<i32>} : memref<10512xi32, #tpu.memory_space<vmem>>, vector<16xi32>,
      %and3A_191 = arith.constant 8191 : i32
      %and3A_192 = vector.broadcast %and3A_191 : i32 to vector<16xi32>
      %and3A_193 = arith.andi %get3A_182, %and3A_192 : vector<16xi32>
      %mul3A_194 = arith.constant 16 : i32
      %mul3A_195 = arith.muli %scan3A_178, %mul3A_194 : i32
      %swap3A_196 = arith.index_cast %mul3A_195 : i32 to index
      %swap3A_197 = tpu.vector_load %arg7[%swap3A_196] {strides = array<i32>} : memref<10512xi32, #tpu.memory_space<vmem>>, vector<16xi32>,
      %swap3A_198 = vector.shape_cast %swap3A_197 : vector<16xi32> to vector<16xi32>
      %swap3A_199 = vector.shape_cast %and3A_193 : vector<16xi32> to vector<16xi32>
      tpu.vector_store %arg7[%swap3A_196], %swap3A_199 {strides = array<i32>} : memref<10512xi32, #tpu.memory_space<vmem>>, vector<16xi32>,
    }
    %scan3A_159 = arith.constant 657 : i32
    %barrier3A = arith.constant 0 : index
    tpu.barrier barrier_id(%barrier3A)
    %while3A = arith.constant 0 : i32
    %while3A_160 = arith.constant 0 : i32
    %while3A_161 = arith.subi %select_n3A, %while3A_160 : i32
    %while3A_162 = arith.addi %while3A_160, %while3A_161 : i32
    %while3A_163 = arith.constant 1 : i32
    %while3A_164 = arith.divsi %while3A_161, %while3A_163 : i32
    %while3A_165 = arith.muli %while3A_164, %while3A_163 : i32
    %while3A_166 = arith.addi %while3A_160, %while3A_165 : i32
    %while3A_167 = arith.constant 1 : i32
    scf.for %while3A_178 = %while3A_160 to %while3A_166 step %while3A_167  : i32 {
      %mul3A_179 = arith.constant 256 : i32
      %mul3A_180 = arith.muli %while3A_178, %mul3A_179 : i32
      %mul3A_181 = arith.constant 256 : i32
      %mul3A_182 = arith.muli %while3A_178, %mul3A_181 : i32
      %dma_start3A = tpu.memref_slice %arg6[%mul3A_180] : memref<10512xi32, #tpu.memory_space<vmem>> -> memref<256xi32, #tpu.memory_space<vmem>>
      %dma_start3A_183 = arith.constant 0 : i32
      %dma_start3A_184 = arith.constant 0 : i32
      %dma_start3A_185 = tpu.memref_slice %arg2[%dma_start3A_183, %dma_start3A_184] : memref<10000x128xf32, #tpu.memory_space<hbm>> -> memref<10000x128xf32, #tpu.memory_space<hbm>>
      tpu.enqueue_indirect_dma source(%dma_start3A_185 : memref<10000x128xf32, #tpu.memory_space<hbm>>) target(%arg9 : memref<256x128xf32, #tpu.memory_space<vmem>>) offsets(%dma_start3A : memref<256xi32, #tpu.memory_space<vmem>>) semaphore(%arg14 : memref<!tpu.dma_semaphore, #tpu.memory_space<semaphore_mem>>)
      "tpu.region"() ({
        %run_scoped3A_189 = tpu.sem_alloc : memref<!tpu.dma_semaphore, #tpu.memory_space<semaphore_mem>>
        %dma_start3A_190 = tpu.memref_slice %arg7[%mul3A_182] : memref<10512xi32, #tpu.memory_space<vmem>> -> memref<256xi32, #tpu.memory_space<vmem>>
        %dma_start3A_191 = arith.constant 0 : i32
        %dma_start3A_192 = arith.constant 0 : i32
        %dma_start3A_193 = tpu.memref_slice %arg13[%dma_start3A_191, %dma_start3A_192] : memref<1024x128xf32, #tpu.memory_space<vmem_shared>> -> memref<1024x128xf32, #tpu.memory_space<vmem_shared>>
        tpu.enqueue_indirect_dma source(%arg10 : memref<256x128xf32, #tpu.memory_space<vmem>>) target(%dma_start3A_193 : memref<1024x128xf32, #tpu.memory_space<vmem_shared>>) offsets(%dma_start3A_190 : memref<256xi32, #tpu.memory_space<vmem>>) semaphore(%run_scoped3A_189 : memref<!tpu.dma_semaphore, #tpu.memory_space<semaphore_mem>>) {add = true}
        %dma_wait3A_194 = tpu.memref_slice %arg7[%mul3A_182] : memref<10512xi32, #tpu.memory_space<vmem>> -> memref<256xi32, #tpu.memory_space<vmem>>
        %dma_wait3A_195 = arith.constant 0 : i32
        %dma_wait3A_196 = arith.constant 0 : i32
        %dma_wait3A_197 = tpu.memref_slice %arg13[%dma_wait3A_195, %dma_wait3A_196] : memref<1024x128xf32, #tpu.memory_space<vmem_shared>> -> memref<1024x128xf32, #tpu.memory_space<vmem_shared>>
        tpu.wait_indirect_dma semaphore(%run_scoped3A_189 : memref<!tpu.dma_semaphore, #tpu.memory_space<semaphore_mem>>) src(%arg10 : memref<256x128xf32, #tpu.memory_space<vmem>>) dst(%dma_wait3A_197 : memref<1024x128xf32, #tpu.memory_space<vmem_shared>>)
        tpu.yield
      }) : () -> ()
      %dma_wait3A = tpu.memref_slice %arg6[%mul3A_180] : memref<10512xi32, #tpu.memory_space<vmem>> -> memref<256xi32, #tpu.memory_space<vmem>>
      %dma_wait3A_186 = arith.constant 0 : i32
      %dma_wait3A_187 = arith.constant 0 : i32
      %dma_wait3A_188 = tpu.memref_slice %arg2[%dma_wait3A_186, %dma_wait3A_187] : memref<10000x128xf32, #tpu.memory_space<hbm>> -> memref<10000x128xf32, #tpu.memory_space<hbm>>
      tpu.wait_indirect_dma semaphore(%arg14 : memref<!tpu.dma_semaphore, #tpu.memory_space<semaphore_mem>>) src(%dma_wait3A_188 : memref<10000x128xf32, #tpu.memory_space<hbm>>) dst(%arg9 : memref<256x128xf32, #tpu.memory_space<vmem>>)
      "tpu.region"() ({
        %run_scoped3A_189 = tpu.sem_alloc : memref<!tpu.dma_semaphore, #tpu.memory_space<semaphore_mem>>
        %dma_start3A_190 = tpu.memref_slice %arg7[%mul3A_182] : memref<10512xi32, #tpu.memory_space<vmem>> -> memref<256xi32, #tpu.memory_space<vmem>>
        %dma_start3A_191 = arith.constant 0 : i32
        %dma_start3A_192 = arith.constant 0 : i32
        %dma_start3A_193 = tpu.memref_slice %arg12[%dma_start3A_191, %dma_start3A_192] : memref<1024x128xf32, #tpu.memory_space<vmem_shared>> -> memref<1024x128xf32, #tpu.memory_space<vmem_shared>>
        tpu.enqueue_indirect_dma source(%arg9 : memref<256x128xf32, #tpu.memory_space<vmem>>) target(%dma_start3A_193 : memref<1024x128xf32, #tpu.memory_space<vmem_shared>>) offsets(%dma_start3A_190 : memref<256xi32, #tpu.memory_space<vmem>>) semaphore(%run_scoped3A_189 : memref<!tpu.dma_semaphore, #tpu.memory_space<semaphore_mem>>) {add = true}
        %dma_wait3A_194 = tpu.memref_slice %arg7[%mul3A_182] : memref<10512xi32, #tpu.memory_space<vmem>> -> memref<256xi32, #tpu.memory_space<vmem>>
        %dma_wait3A_195 = arith.constant 0 : i32
        %dma_wait3A_196 = arith.constant 0 : i32
        %dma_wait3A_197 = tpu.memref_slice %arg12[%dma_wait3A_195, %dma_wait3A_196] : memref<1024x128xf32, #tpu.memory_space<vmem_shared>> -> memref<1024x128xf32, #tpu.memory_space<vmem_shared>>
        tpu.wait_indirect_dma semaphore(%run_scoped3A_189 : memref<!tpu.dma_semaphore, #tpu.memory_space<semaphore_mem>>) src(%arg9 : memref<256x128xf32, #tpu.memory_space<vmem>>) dst(%dma_wait3A_197 : memref<1024x128xf32, #tpu.memory_space<vmem_shared>>)
        tpu.yield
      }) : () -> ()
    }
    %while3A_168 = arith.constant 1 : i32
    scf.for %while3A_178 = %while3A_166 to %while3A_162 step %while3A_168  : i32 {
      %mul3A_179 = arith.constant 256 : i32
      %mul3A_180 = arith.muli %while3A_178, %mul3A_179 : i32
      %mul3A_181 = arith.constant 256 : i32
      %mul3A_182 = arith.muli %while3A_178, %mul3A_181 : i32
      %dma_start3A = tpu.memref_slice %arg6[%mul3A_180] : memref<10512xi32, #tpu.memory_space<vmem>> -> memref<256xi32, #tpu.memory_space<vmem>>
      %dma_start3A_183 = arith.constant 0 : i32
      %dma_start3A_184 = arith.constant 0 : i32
      %dma_start3A_185 = tpu.memref_slice %arg2[%dma_start3A_183, %dma_start3A_184] : memref<10000x128xf32, #tpu.memory_space<hbm>> -> memref<10000x128xf32, #tpu.memory_space<hbm>>
      tpu.enqueue_indirect_dma source(%dma_start3A_185 : memref<10000x128xf32, #tpu.memory_space<hbm>>) target(%arg9 : memref<256x128xf32, #tpu.memory_space<vmem>>) offsets(%dma_start3A : memref<256xi32, #tpu.memory_space<vmem>>) semaphore(%arg14 : memref<!tpu.dma_semaphore, #tpu.memory_space<semaphore_mem>>)
      "tpu.region"() ({
        %run_scoped3A_189 = tpu.sem_alloc : memref<!tpu.dma_semaphore, #tpu.memory_space<semaphore_mem>>
        %dma_start3A_190 = tpu.memref_slice %arg7[%mul3A_182] : memref<10512xi32, #tpu.memory_space<vmem>> -> memref<256xi32, #tpu.memory_space<vmem>>
        %dma_start3A_191 = arith.constant 0 : i32
        %dma_start3A_192 = arith.constant 0 : i32
        %dma_start3A_193 = tpu.memref_slice %arg13[%dma_start3A_191, %dma_start3A_192] : memref<1024x128xf32, #tpu.memory_space<vmem_shared>> -> memref<1024x128xf32, #tpu.memory_space<vmem_shared>>
        tpu.enqueue_indirect_dma source(%arg10 : memref<256x128xf32, #tpu.memory_space<vmem>>) target(%dma_start3A_193 : memref<1024x128xf32, #tpu.memory_space<vmem_shared>>) offsets(%dma_start3A_190 : memref<256xi32, #tpu.memory_space<vmem>>) semaphore(%run_scoped3A_189 : memref<!tpu.dma_semaphore, #tpu.memory_space<semaphore_mem>>) {add = true}
        %dma_wait3A_194 = tpu.memref_slice %arg7[%mul3A_182] : memref<10512xi32, #tpu.memory_space<vmem>> -> memref<256xi32, #tpu.memory_space<vmem>>
        %dma_wait3A_195 = arith.constant 0 : i32
        %dma_wait3A_196 = arith.constant 0 : i32
        %dma_wait3A_197 = tpu.memref_slice %arg13[%dma_wait3A_195, %dma_wait3A_196] : memref<1024x128xf32, #tpu.memory_space<vmem_shared>> -> memref<1024x128xf32, #tpu.memory_space<vmem_shared>>
        tpu.wait_indirect_dma semaphore(%run_scoped3A_189 : memref<!tpu.dma_semaphore, #tpu.memory_space<semaphore_mem>>) src(%arg10 : memref<256x128xf32, #tpu.memory_space<vmem>>) dst(%dma_wait3A_197 : memref<1024x128xf32, #tpu.memory_space<vmem_shared>>)
        tpu.yield
      }) : () -> ()
      %dma_wait3A = tpu.memref_slice %arg6[%mul3A_180] : memref<10512xi32, #tpu.memory_space<vmem>> -> memref<256xi32, #tpu.memory_space<vmem>>
      %dma_wait3A_186 = arith.constant 0 : i32
      %dma_wait3A_187 = arith.constant 0 : i32
      %dma_wait3A_188 = tpu.memref_slice %arg2[%dma_wait3A_186, %dma_wait3A_187] : memref<10000x128xf32, #tpu.memory_space<hbm>> -> memref<10000x128xf32, #tpu.memory_space<hbm>>
      tpu.wait_indirect_dma semaphore(%arg14 : memref<!tpu.dma_semaphore, #tpu.memory_space<semaphore_mem>>) src(%dma_wait3A_188 : memref<10000x128xf32, #tpu.memory_space<hbm>>) dst(%arg9 : memref<256x128xf32, #tpu.memory_space<vmem>>)
      "tpu.region"() ({
        %run_scoped3A_189 = tpu.sem_alloc : memref<!tpu.dma_semaphore, #tpu.memory_space<semaphore_mem>>
        %dma_start3A_190 = tpu.memref_slice %arg7[%mul3A_182] : memref<10512xi32, #tpu.memory_space<vmem>> -> memref<256xi32, #tpu.memory_space<vmem>>
        %dma_start3A_191 = arith.constant 0 : i32
        %dma_start3A_192 = arith.constant 0 : i32
        %dma_start3A_193 = tpu.memref_slice %arg12[%dma_start3A_191, %dma_start3A_192] : memref<1024x128xf32, #tpu.memory_space<vmem_shared>> -> memref<1024x128xf32, #tpu.memory_space<vmem_shared>>
        tpu.enqueue_indirect_dma source(%arg9 : memref<256x128xf32, #tpu.memory_space<vmem>>) target(%dma_start3A_193 : memref<1024x128xf32, #tpu.memory_space<vmem_shared>>) offsets(%dma_start3A_190 : memref<256xi32, #tpu.memory_space<vmem>>) semaphore(%run_scoped3A_189 : memref<!tpu.dma_semaphore, #tpu.memory_space<semaphore_mem>>) {add = true}
        %dma_wait3A_194 = tpu.memref_slice %arg7[%mul3A_182] : memref<10512xi32, #tpu.memory_space<vmem>> -> memref<256xi32, #tpu.memory_space<vmem>>
        %dma_wait3A_195 = arith.constant 0 : i32
        %dma_wait3A_196 = arith.constant 0 : i32
        %dma_wait3A_197 = tpu.memref_slice %arg12[%dma_wait3A_195, %dma_wait3A_196] : memref<1024x128xf32, #tpu.memory_space<vmem_shared>> -> memref<1024x128xf32, #tpu.memory_space<vmem_shared>>
        tpu.wait_indirect_dma semaphore(%run_scoped3A_189 : memref<!tpu.dma_semaphore, #tpu.memory_space<semaphore_mem>>) src(%arg9 : memref<256x128xf32, #tpu.memory_space<vmem>>) dst(%dma_wait3A_197 : memref<1024x128xf32, #tpu.memory_space<vmem_shared>>)
        tpu.yield
      }) : () -> ()
    }
    %barrier3A_169 = arith.constant 0 : index
    tpu.barrier barrier_id(%barrier3A_169)
    %mul3A_170 = arith.constant 64 : i32
    %mul3A_171 = arith.muli %arg1, %mul3A_170 : i32
    "tpu.region"() ({
      %run_scoped3A_178 = tpu.sem_alloc : memref<!tpu.dma_semaphore, #tpu.memory_space<semaphore_mem>>
      %dma_start3A = arith.constant 0 : i32
      %dma_start3A_179 = tpu.memref_slice %arg12[%mul3A_171, %dma_start3A] : memref<1024x128xf32, #tpu.memory_space<vmem_shared>> -> memref<64x128xf32, #tpu.memory_space<vmem_shared>>
      %dma_start3A_180 = arith.constant 0 : i32
      %dma_start3A_181 = tpu.memref_slice %arg12[%mul3A_171, %dma_start3A_180] : memref<1024x128xf32, #tpu.memory_space<vmem_shared>> -> memref<64x128xf32, #tpu.memory_space<vmem_shared>>
      tpu.enqueue_dma source(%dma_start3A_181 : memref<64x128xf32, #tpu.memory_space<vmem_shared>>) target(%arg11 : memref<64x128xf32, #tpu.memory_space<vmem>>) target_semaphore(%run_scoped3A_178 : memref<!tpu.dma_semaphore, #tpu.memory_space<semaphore_mem>>)
      %dma_wait3A = arith.constant 0 : i32
      %dma_wait3A_182 = tpu.memref_slice %arg12[%mul3A_171, %dma_wait3A] : memref<1024x128xf32, #tpu.memory_space<vmem_shared>> -> memref<64x128xf32, #tpu.memory_space<vmem_shared>>
      %dma_wait3A_183 = arith.constant 0 : i32
      %dma_wait3A_184 = tpu.memref_slice %arg12[%mul3A_171, %dma_wait3A_183] : memref<1024x128xf32, #tpu.memory_space<vmem_shared>> -> memref<64x128xf32, #tpu.memory_space<vmem_shared>>
      tpu.wait_dma2 semaphore(%run_scoped3A_178 : memref<!tpu.dma_semaphore, #tpu.memory_space<semaphore_mem>>) src(%dma_wait3A_184 : memref<64x128xf32, #tpu.memory_space<vmem_shared>>) dst(%arg11 : memref<64x128xf32, #tpu.memory_space<vmem>>)
      tpu.yield
    }) : () -> ()
    %mul3A_172 = arith.constant 64 : i32
    %mul3A_173 = arith.muli %arg1, %mul3A_172 : i32
    "tpu.region"() ({
      %run_scoped3A_178 = tpu.sem_alloc : memref<!tpu.dma_semaphore, #tpu.memory_space<semaphore_mem>>
      %dma_start3A = arith.constant 0 : i32
      %dma_start3A_179 = tpu.memref_slice %arg4[%arg0, %mul3A_173, %dma_start3A] : memref<2x1024x128xf32, #tpu.memory_space<hbm>> -> memref<1x64x128xf32, #tpu.memory_space<hbm>>
      %dma_start3A_180 = tpu.memref_squeeze %dma_start3A_179 : memref<1x64x128xf32, #tpu.memory_space<hbm>> -> memref<64x128xf32, #tpu.memory_space<hbm>>
      %dma_start3A_181 = arith.constant 0 : i32
      %dma_start3A_182 = tpu.memref_slice %arg4[%arg0, %mul3A_173, %dma_start3A_181] : memref<2x1024x128xf32, #tpu.memory_space<hbm>> -> memref<1x64x128xf32, #tpu.memory_space<hbm>>
      %dma_start3A_183 = tpu.memref_squeeze %dma_start3A_182 : memref<1x64x128xf32, #tpu.memory_space<hbm>> -> memref<64x128xf32, #tpu.memory_space<hbm>>
      tpu.enqueue_dma source(%arg11 : memref<64x128xf32, #tpu.memory_space<vmem>>) target(%dma_start3A_183 : memref<64x128xf32, #tpu.memory_space<hbm>>) target_semaphore(%run_scoped3A_178 : memref<!tpu.dma_semaphore, #tpu.memory_space<semaphore_mem>>)
      %dma_wait3A = arith.constant 0 : i32
      %dma_wait3A_184 = tpu.memref_slice %arg4[%arg0, %mul3A_173, %dma_wait3A] : memref<2x1024x128xf32, #tpu.memory_space<hbm>> -> memref<1x64x128xf32, #tpu.memory_space<hbm>>
      %dma_wait3A_185 = tpu.memref_squeeze %dma_wait3A_184 : memref<1x64x128xf32, #tpu.memory_space<hbm>> -> memref<64x128xf32, #tpu.memory_space<hbm>>
      %dma_wait3A_186 = arith.constant 0 : i32
      %dma_wait3A_187 = tpu.memref_slice %arg4[%arg0, %mul3A_173, %dma_wait3A_186] : memref<2x1024x128xf32, #tpu.memory_space<hbm>> -> memref<1x64x128xf32, #tpu.memory_space<hbm>>
      %dma_wait3A_188 = tpu.memref_squeeze %dma_wait3A_187 : memref<1x64x128xf32, #tpu.memory_space<hbm>> -> memref<64x128xf32, #tpu.memory_space<hbm>>
      tpu.wait_dma2 semaphore(%run_scoped3A_178 : memref<!tpu.dma_semaphore, #tpu.memory_space<semaphore_mem>>) src(%arg11 : memref<64x128xf32, #tpu.memory_space<vmem>>) dst(%dma_wait3A_188 : memref<64x128xf32, #tpu.memory_space<hbm>>)
      tpu.yield
    }) : () -> ()
    %mul3A_174 = arith.constant 64 : i32
    %mul3A_175 = arith.muli %arg1, %mul3A_174 : i32
    "tpu.region"() ({
      %run_scoped3A_178 = tpu.sem_alloc : memref<!tpu.dma_semaphore, #tpu.memory_space<semaphore_mem>>
      %dma_start3A = arith.constant 0 : i32
      %dma_start3A_179 = tpu.memref_slice %arg13[%mul3A_175, %dma_start3A] : memref<1024x128xf32, #tpu.memory_space<vmem_shared>> -> memref<64x128xf32, #tpu.memory_space<vmem_shared>>
      %dma_start3A_180 = arith.constant 0 : i32
      %dma_start3A_181 = tpu.memref_slice %arg13[%mul3A_175, %dma_start3A_180] : memref<1024x128xf32, #tpu.memory_space<vmem_shared>> -> memref<64x128xf32, #tpu.memory_space<vmem_shared>>
      tpu.enqueue_dma source(%dma_start3A_181 : memref<64x128xf32, #tpu.memory_space<vmem_shared>>) target(%arg11 : memref<64x128xf32, #tpu.memory_space<vmem>>) target_semaphore(%run_scoped3A_178 : memref<!tpu.dma_semaphore, #tpu.memory_space<semaphore_mem>>)
      %dma_wait3A = arith.constant 0 : i32
      %dma_wait3A_182 = tpu.memref_slice %arg13[%mul3A_175, %dma_wait3A] : memref<1024x128xf32, #tpu.memory_space<vmem_shared>> -> memref<64x128xf32, #tpu.memory_space<vmem_shared>>
      %dma_wait3A_183 = arith.constant 0 : i32
      %dma_wait3A_184 = tpu.memref_slice %arg13[%mul3A_175, %dma_wait3A_183] : memref<1024x128xf32, #tpu.memory_space<vmem_shared>> -> memref<64x128xf32, #tpu.memory_space<vmem_shared>>
      tpu.wait_dma2 semaphore(%run_scoped3A_178 : memref<!tpu.dma_semaphore, #tpu.memory_space<semaphore_mem>>) src(%dma_wait3A_184 : memref<64x128xf32, #tpu.memory_space<vmem_shared>>) dst(%arg11 : memref<64x128xf32, #tpu.memory_space<vmem>>)
      tpu.yield
    }) : () -> ()
    %mul3A_176 = arith.constant 64 : i32
    %mul3A_177 = arith.muli %arg1, %mul3A_176 : i32
    "tpu.region"() ({
      %run_scoped3A_178 = tpu.sem_alloc : memref<!tpu.dma_semaphore, #tpu.memory_space<semaphore_mem>>
      %dma_start3A = arith.constant 0 : i32
      %dma_start3A_179 = tpu.memref_slice %arg5[%arg0, %mul3A_177, %dma_start3A] : memref<2x1024x128xf32, #tpu.memory_space<hbm>> -> memref<1x64x128xf32, #tpu.memory_space<hbm>>
      %dma_start3A_180 = tpu.memref_squeeze %dma_start3A_179 : memref<1x64x128xf32, #tpu.memory_space<hbm>> -> memref<64x128xf32, #tpu.memory_space<hbm>>
      %dma_start3A_181 = arith.constant 0 : i32
      %dma_start3A_182 = tpu.memref_slice %arg5[%arg0, %mul3A_177, %dma_start3A_181] : memref<2x1024x128xf32, #tpu.memory_space<hbm>> -> memref<1x64x128xf32, #tpu.memory_space<hbm>>
      %dma_start3A_183 = tpu.memref_squeeze %dma_start3A_182 : memref<1x64x128xf32, #tpu.memory_space<hbm>> -> memref<64x128xf32, #tpu.memory_space<hbm>>
      tpu.enqueue_dma source(%arg11 : memref<64x128xf32, #tpu.memory_space<vmem>>) target(%dma_start3A_183 : memref<64x128xf32, #tpu.memory_space<hbm>>) target_semaphore(%run_scoped3A_178 : memref<!tpu.dma_semaphore, #tpu.memory_space<semaphore_mem>>)
      %dma_wait3A = arith.constant 0 : i32
      %dma_wait3A_184 = tpu.memref_slice %arg5[%arg0, %mul3A_177, %dma_wait3A] : memref<2x1024x128xf32, #tpu.memory_space<hbm>> -> memref<1x64x128xf32, #tpu.memory_space<hbm>>
      %dma_wait3A_185 = tpu.memref_squeeze %dma_wait3A_184 : memref<1x64x128xf32, #tpu.memory_space<hbm>> -> memref<64x128xf32, #tpu.memory_space<hbm>>
      %dma_wait3A_186 = arith.constant 0 : i32
      %dma_wait3A_187 = tpu.memref_slice %arg5[%arg0, %mul3A_177, %dma_wait3A_186] : memref<2x1024x128xf32, #tpu.memory_space<hbm>> -> memref<1x64x128xf32, #tpu.memory_space<hbm>>
      %dma_wait3A_188 = tpu.memref_squeeze %dma_wait3A_187 : memref<1x64x128xf32, #tpu.memory_space<hbm>> -> memref<64x128xf32, #tpu.memory_space<hbm>>
      tpu.wait_dma2 semaphore(%run_scoped3A_178 : memref<!tpu.dma_semaphore, #tpu.memory_space<semaphore_mem>>) src(%arg11 : memref<64x128xf32, #tpu.memory_space<vmem>>) dst(%dma_wait3A_188 : memref<64x128xf32, #tpu.memory_space<hbm>>)
      tpu.yield
    }) : () -> ()
    return
  }
}

module attributes {stable_mosaic.version = 14 : i64} {
  func.func @body(%arg0: memref<2x1024x128xf32, #tpu.memory_space<vmem>>, %arg1: memref<2x1024x128xf32, #tpu.memory_space<vmem>>, %arg2: memref<1000x128xf32, #tpu.memory_space<vmem>>, %arg3: memref<128x128xf32, #tpu.memory_space<vmem>>, %arg4: memref<128x128xf32, #tpu.memory_space<vmem>>, %arg5: memref<1x128xf32, #tpu.memory_space<vmem>>, %arg6: memref<1000x128xf32, #tpu.memory_space<vmem>>) attributes {dimension_semantics = [], scalar_prefetch = 0 : i64, scratch_operands = 0 : i64, tpu.core_type = #tpu.core_type<tc>} {
    %get3A = arith.constant 0 : index
    %get3A_0 = arith.constant 0 : index
    %get3A_1 = arith.constant 0 : index
    %get3A_2 = vector.load %arg0[%get3A, %get3A_0, %get3A_1] : memref<2x1024x128xf32, #tpu.memory_space<vmem>>, vector<1x1000x128xf32>
    %get3A_3 = vector.shape_cast %get3A_2 : vector<1x1000x128xf32> to vector<1000x128xf32>
    %get3A_4 = arith.constant 1 : index
    %get3A_5 = arith.constant 0 : index
    %get3A_6 = arith.constant 0 : index
    %get3A_7 = vector.load %arg0[%get3A_4, %get3A_5, %get3A_6] : memref<2x1024x128xf32, #tpu.memory_space<vmem>>, vector<1x1000x128xf32>
    %get3A_8 = vector.shape_cast %get3A_7 : vector<1x1000x128xf32> to vector<1000x128xf32>
    %add3A = arith.addf %get3A_3, %get3A_8 : vector<1000x128xf32>
    %get3A_9 = arith.constant 0 : index
    %get3A_10 = arith.constant 0 : index
    %get3A_11 = arith.constant 0 : index
    %get3A_12 = vector.load %arg1[%get3A_9, %get3A_10, %get3A_11] : memref<2x1024x128xf32, #tpu.memory_space<vmem>>, vector<1x1000x1xf32>
    %get3A_13 = vector.shape_cast %get3A_12 : vector<1x1000x1xf32> to vector<1000x1xf32>
    %get3A_14 = arith.constant 1 : index
    %get3A_15 = arith.constant 0 : index
    %get3A_16 = arith.constant 0 : index
    %get3A_17 = vector.load %arg1[%get3A_14, %get3A_15, %get3A_16] : memref<2x1024x128xf32, #tpu.memory_space<vmem>>, vector<1x1000x1xf32>
    %get3A_18 = vector.shape_cast %get3A_17 : vector<1x1000x1xf32> to vector<1000x1xf32>
    %add3A_19 = arith.addf %get3A_13, %get3A_18 : vector<1000x1xf32>
    %max3A = arith.constant 1.000000e+00 : f32
    %max3A_20 = vector.broadcast %max3A : f32 to vector<1000x1xf32>
    %max3A_21 = arith.maximumf %add3A_19, %max3A_20 : vector<1000x1xf32>
    %div3A = vector.broadcast %max3A_21 : vector<1000x1xf32> to vector<1000x128xf32>
    %div3A_22 = arith.divf %add3A, %div3A : vector<1000x128xf32>
    %get3A_23 = arith.constant 0 : index
    %get3A_24 = arith.constant 0 : index
    %get3A_25 = vector.load %arg3[%get3A_23, %get3A_24] : memref<128x128xf32, #tpu.memory_space<vmem>>, vector<128x128xf32>
    %dot_general3A = arith.constant dense<0.000000e+00> : vector<1000x128xf32>
    %dot_general3A_26 = tpu.matmul %div3A_22, %get3A_25, %dot_general3A {dimension_numbers = #tpu.dot_dimension_numbers<[1], [1], [0], [0], [0, 0, 1, 0], [], []>, transpose_lhs_hint = false} : vector<1000x128xf32>, vector<128x128xf32>, vector<1000x128xf32> -> vector<1000x128xf32>
    %get3A_27 = arith.constant 0 : index
    %get3A_28 = arith.constant 0 : index
    %get3A_29 = vector.load %arg5[%get3A_27, %get3A_28] : memref<1x128xf32, #tpu.memory_space<vmem>>, vector<1x128xf32>
    %add3A_30 = vector.broadcast %get3A_29 : vector<1x128xf32> to vector<1000x128xf32>
    %add3A_31 = arith.addf %dot_general3A_26, %add3A_30 : vector<1000x128xf32>
    %get3A_32 = arith.constant 0 : index
    %get3A_33 = arith.constant 0 : index
    %get3A_34 = vector.load %arg2[%get3A_32, %get3A_33] : memref<1000x128xf32, #tpu.memory_space<vmem>>, vector<1000x128xf32>
    %get3A_35 = arith.constant 0 : index
    %get3A_36 = arith.constant 0 : index
    %get3A_37 = vector.load %arg4[%get3A_35, %get3A_36] : memref<128x128xf32, #tpu.memory_space<vmem>>, vector<128x128xf32>
    %dot_general3A_38 = arith.constant dense<0.000000e+00> : vector<1000x128xf32>
    %dot_general3A_39 = tpu.matmul %get3A_34, %get3A_37, %dot_general3A_38 {dimension_numbers = #tpu.dot_dimension_numbers<[1], [1], [0], [0], [0, 0, 1, 0], [], []>, transpose_lhs_hint = false} : vector<1000x128xf32>, vector<128x128xf32>, vector<1000x128xf32> -> vector<1000x128xf32>
    %add3A_40 = arith.addf %add3A_31, %dot_general3A_39 : vector<1000x128xf32>
    %max3A_41 = arith.constant 0.000000e+00 : f32
    %max3A_42 = vector.broadcast %max3A_41 : f32 to vector<1000x128xf32>
    %max3A_43 = arith.maximumf %add3A_40, %max3A_42 : vector<1000x128xf32>
    %swap3A = arith.constant 0 : index
    %swap3A_44 = arith.constant 0 : index
    %swap3A_45 = vector.load %arg6[%swap3A, %swap3A_44] : memref<1000x128xf32, #tpu.memory_space<vmem>>, vector<1000x128xf32>
    tpu.vector_store %arg6[%swap3A, %swap3A_44], %max3A_43 {strides = array<i32>} : memref<1000x128xf32, #tpu.memory_space<vmem>>, vector<1000x128xf32>,
    return
  }
}

module attributes {stable_mosaic.version = 14 : i64} {
  func.func @body(%arg0: memref<2x1024x128xf32, #tpu.memory_space<vmem>>, %arg1: memref<2x1024x128xf32, #tpu.memory_space<vmem>>, %arg2: memref<1000x128xf32, #tpu.memory_space<vmem>>, %arg3: memref<128x128xf32, #tpu.memory_space<vmem>>, %arg4: memref<128x128xf32, #tpu.memory_space<vmem>>, %arg5: memref<1x128xf32, #tpu.memory_space<vmem>>, %arg6: memref<1000x128xf32, #tpu.memory_space<vmem>>) attributes {dimension_semantics = [], scalar_prefetch = 0 : i64, scratch_operands = 0 : i64, tpu.core_type = #tpu.core_type<tc>} {
    %get3A = arith.constant 0 : index
    %get3A_0 = arith.constant 0 : index
    %get3A_1 = arith.constant 0 : index
    %get3A_2 = vector.load %arg0[%get3A, %get3A_0, %get3A_1] : memref<2x1024x128xf32, #tpu.memory_space<vmem>>, vector<1x1000x128xf32>
    %get3A_3 = vector.shape_cast %get3A_2 : vector<1x1000x128xf32> to vector<1000x128xf32>
    %get3A_4 = arith.constant 1 : index
    %get3A_5 = arith.constant 0 : index
    %get3A_6 = arith.constant 0 : index
    %get3A_7 = vector.load %arg0[%get3A_4, %get3A_5, %get3A_6] : memref<2x1024x128xf32, #tpu.memory_space<vmem>>, vector<1x1000x128xf32>
    %get3A_8 = vector.shape_cast %get3A_7 : vector<1x1000x128xf32> to vector<1000x128xf32>
    %add3A = arith.addf %get3A_3, %get3A_8 : vector<1000x128xf32>
    %get3A_9 = arith.constant 0 : index
    %get3A_10 = arith.constant 0 : index
    %get3A_11 = arith.constant 0 : index
    %get3A_12 = vector.load %arg1[%get3A_9, %get3A_10, %get3A_11] : memref<2x1024x128xf32, #tpu.memory_space<vmem>>, vector<1x1000x1xf32>
    %get3A_13 = vector.shape_cast %get3A_12 : vector<1x1000x1xf32> to vector<1000x1xf32>
    %get3A_14 = arith.constant 1 : index
    %get3A_15 = arith.constant 0 : index
    %get3A_16 = arith.constant 0 : index
    %get3A_17 = vector.load %arg1[%get3A_14, %get3A_15, %get3A_16] : memref<2x1024x128xf32, #tpu.memory_space<vmem>>, vector<1x1000x1xf32>
    %get3A_18 = vector.shape_cast %get3A_17 : vector<1x1000x1xf32> to vector<1000x1xf32>
    %add3A_19 = arith.addf %get3A_13, %get3A_18 : vector<1000x1xf32>
    %max3A = arith.constant 1.000000e+00 : f32
    %max3A_20 = vector.broadcast %max3A : f32 to vector<1000x1xf32>
    %max3A_21 = arith.maximumf %add3A_19, %max3A_20 : vector<1000x1xf32>
    %div3A = vector.broadcast %max3A_21 : vector<1000x1xf32> to vector<1000x128xf32>
    %div3A_22 = arith.divf %add3A, %div3A : vector<1000x128xf32>
    %get3A_23 = arith.constant 0 : index
    %get3A_24 = arith.constant 0 : index
    %get3A_25 = vector.load %arg3[%get3A_23, %get3A_24] : memref<128x128xf32, #tpu.memory_space<vmem>>, vector<128x128xf32>
    %dot_general3A = arith.constant dense<0.000000e+00> : vector<1000x128xf32>
    %dot_general3A_26 = tpu.matmul %div3A_22, %get3A_25, %dot_general3A {dimension_numbers = #tpu.dot_dimension_numbers<[1], [1], [0], [0], [0, 0, 1, 0], [], []>, transpose_lhs_hint = false} : vector<1000x128xf32>, vector<128x128xf32>, vector<1000x128xf32> -> vector<1000x128xf32>
    %get3A_27 = arith.constant 0 : index
    %get3A_28 = arith.constant 0 : index
    %get3A_29 = vector.load %arg5[%get3A_27, %get3A_28] : memref<1x128xf32, #tpu.memory_space<vmem>>, vector<1x128xf32>
    %add3A_30 = vector.broadcast %get3A_29 : vector<1x128xf32> to vector<1000x128xf32>
    %add3A_31 = arith.addf %dot_general3A_26, %add3A_30 : vector<1000x128xf32>
    %get3A_32 = arith.constant 0 : index
    %get3A_33 = arith.constant 0 : index
    %get3A_34 = vector.load %arg2[%get3A_32, %get3A_33] : memref<1000x128xf32, #tpu.memory_space<vmem>>, vector<1000x128xf32>
    %get3A_35 = arith.constant 0 : index
    %get3A_36 = arith.constant 0 : index
    %get3A_37 = vector.load %arg4[%get3A_35, %get3A_36] : memref<128x128xf32, #tpu.memory_space<vmem>>, vector<128x128xf32>
    %dot_general3A_38 = arith.constant dense<0.000000e+00> : vector<1000x128xf32>
    %dot_general3A_39 = tpu.matmul %get3A_34, %get3A_37, %dot_general3A_38 {dimension_numbers = #tpu.dot_dimension_numbers<[1], [1], [0], [0], [0, 0, 1, 0], [], []>, transpose_lhs_hint = false} : vector<1000x128xf32>, vector<128x128xf32>, vector<1000x128xf32> -> vector<1000x128xf32>
    %add3A_40 = arith.addf %add3A_31, %dot_general3A_39 : vector<1000x128xf32>
    %swap3A = arith.constant 0 : index
    %swap3A_41 = arith.constant 0 : index
    %swap3A_42 = vector.load %arg6[%swap3A, %swap3A_41] : memref<1000x128xf32, #tpu.memory_space<vmem>>, vector<1000x128xf32>
    tpu.vector_store %arg6[%swap3A, %swap3A_41], %add3A_40 {strides = array<i32>} : memref<1000x128xf32, #tpu.memory_space<vmem>>, vector<1000x128xf32>,
    return
  }
}

</mosaic_0001>

<sc_bundles>
// kernel: kernel.6.cloned.1.call-start
scs
__scs_entry_jumppad:
0x0: {  	(pc) =	sbr.rel $0x88, $3  }
0x1: {  	(tag) =	ssettag $0x0;
	lr =	simm.s32 $0x1  }
0x2: {  	[smem:$0x3F98] =	sst lr;
	_ =	strace $0xD0000000  }
0x3: {  	_ = 	snop  }
0x4: {  	_ = 	snop  }
0x5: {  	_ = 	snop  }
0x6: {  	_ = 	snop  }
0x7: {  	_ = 	snop  }
__scs_overlays_trampoline_lowered:
0x8: {  	[smem:$0x3FA7] =	sst s0  }
0x9: {  	[smem:$0x3FA8] =	sst s1  }
0xa: {  	[smem:$0x3FA9] =	sst s2  }
0xb: {  	[smem:$0x3FAA] =	sst s3  }
0xc: {  	[smem:$0x3FAB] =	sst s4  }
0xd: {  	[smem:$0x3FAC] =	sst s5  }
0xe: {  	[smem:$0x3FAD] =	sst s6  }
0xf: {  	[smem:$0x3FAE] =	sst s7  }
0x10: {  	[smem:$0x3FAF] =	sst s8  }
0x11: {  	[smem:$0x3FB0] =	sst s9;
	s0 =	simm.s32 @!p0 $0x0  }
0x12: {  	s1 =	sld [smem:$0x3F96];
	s0 =	simm.s32 @p0 $0x1  }
0x13: {  	[smem:$0x3FB1] =	sst s0;
	s0 =	simm.s32 @!p1 $0x0  }
0x14: {  	s2 =	sld [smem:$0x3F95];
	s0 =	simm.s32 @p1 $0x1  }
0x15: {  	[smem:$0x3FB2] =	sst s0;
	s0 =	simm.s32 @!p2 $0x0  }
0x16: {  	s3 =	sld [smem:$0x3FDB];
	s0 =	simm.s32 @p2 $0x1  }
0x17: {  	s4 =	simm.s32 $0x1BF5;
	[smem:$0x3FB4] =	sst s0  }
0x18: {  	s0 =	sld [smem:$0x3F97];
	_ =	swait.ge [sflag:s4], $0x0  }
0x19: {  	s7 =	sld [smem:$0x3F98]  }
0x1a: {  	s8 =	sadd.s32 $0xFFFFE003, lr  }
0x1b: {  	s9 =	sadd.s32 $0xFFFFFEF7, lr;
	s5 =	simm.s32 $0xFFFFFFFF;
	p2 =	slt.u32 s8, $0xFFFFF086  }
0x1c: {  	p1 =	slt.u32 s9, $0xF7A;
	s5 =	simm.s32 @!p2 $0x0  }
0x1d: {  	s5 =	simm.s32 @p1 $0x1;
	p0 =	seq.s32 s7, s2  }
0x1e: {  	s7 =	smul.u32 @!p0 $0xF7A, s2;
	p2 =	seq.s32 @!p0 s5, $0x0  }
0x1f: {  	s9 =	smul.u32 $0xF7A, s1;
	s8 =	simm.s32 @!p0 $0x1BF5;
	p2 =	por !p2, p0  }
0x20: {  	[sflag:s8] =	ssyncset.s32 @!p0 $0xFFFFF086;
	s6 =	sadd.s32 @!p0 s3, s7;
	s7 =	simm.s32 @!p0 $0x108  }
0x21: {  	s3 =	sadd.s32 s3, s9;
	s6 =	sadd.s32 @!p0 $0x88, s6;
	s7 =	simm.s32 @p2 $0x1082  }
0x22: {  	[simem:s7], [sflag:s8] =	dma.local @!p0 [hbm:s6], $0xF7A  }
0x23: {  	s9 =	sor.u32 $0xD0000000, s2;
	s6 =	simm.s32 $0x108;
	_ =	swait.ge @!p0 [sflag:s8], $0x0  }
0x24: {  	s3 =	sadd.s32 $0x88, s3;
	s6 =	simm.s32 @!p1 $0x1082;
	[sflag:s4] =	ssyncset.s32 $0xFFFFF086  }
0x25: {  	[simem:s6], [sflag:s4] =	dma.local [hbm:s3], $0xF7A  }
0x26: {  	[smem:$0x3F98] =	sst s1;
	(tag) =	ssettag s2;
	_ =	strace s9  }
0x27: {  	s1 =	sld [smem:$0x3FA8]  }
0x28: {  	s2 =	sld [smem:$0x3FA9]  }
0x29: {  	s4 =	sld [smem:$0x3FAB]  }
0x2a: {  	p0 =	seq.s32 s5, $0x0;
	s5 =	sld [smem:$0x3FAC]  }
0x2b: {  	s6 =	sld [smem:$0x3FAD]  }
0x2c: {  	s7 =	sld [smem:$0x3FAE]  }
0x2d: {  	s3 =	simm.s32 $0x108;
	s8 =	sld [smem:$0x3FAF]  }
0x2e: {  	s3 =	simm.s32 @!p0 $0x1082;
	s9 =	sld [smem:$0x3FB0]  }
0x2f: {  	lr =	sadd.s32 s0, s3;
	s0 =	sld [smem:$0x3FA7]  }
0x30: {  	s3 =	sld [smem:$0x3FAA]  }
0x31: {  	[smem:$0x3FB3] =	sst s10  }
0x32: {  	s10 =	sld [smem:$0x3FB1];
	_ =	sdelay $0x3  }
0x33: {  	p0 =	seq.s32 s10, $0x1;
	s10 =	sld [smem:$0x3FB3];
	_ =	sdelay $0x3  }
0x34: {  	[smem:$0x3FB3] =	sst s10  }
0x35: {  	s10 =	sld [smem:$0x3FB2];
	_ =	sdelay $0x3  }
0x36: {  	p1 =	seq.s32 s10, $0x1;
	s10 =	sld [smem:$0x3FB3];
	_ =	sdelay $0x3  }
0x37: {  	[smem:$0x3FB3] =	sst s10  }
0x38: {  	s10 =	sld [smem:$0x3FB4]  }
0x39: {  	_ = 	snop;
	(pc) =	sbr.ind lr, $3  }
0x3a: {  	_ = 	snop  }
0x3b: {  	_ = 	snop  }
0x3c: {  	p2 =	seq.s32 s10, $0x1;
	s10 =	sld [smem:$0x3FB3]  }
0x3d: {  	_ =	shalt  }
0x3e: {  	_ =	shalt  }
0x3f: {  	_ =	shalt  }
0x40: {  	_ =	shalt  }
0x41: {  	_ =	shalt  }
0x42: {  	_ =	shalt  }
0x43: {  	_ =	shalt  }
0x44: {  	_ =	shalt  }
0x45: {  	_ =	shalt  }
0x46: {  	_ =	shalt  }
0x47: {  	_ =	shalt  }
0x48: {  	_ =	shalt  }
0x49: {  	_ =	shalt  }
0x4a: {  	_ =	shalt  }
0x4b: {  	_ =	shalt  }
0x4c: {  	_ =	shalt  }
0x4d: {  	_ =	shalt  }
0x4e: {  	_ =	shalt  }
0x4f: {  	_ =	shalt  }
0x50: {  	_ =	shalt  }
0x51: {  	_ =	shalt  }
0x52: {  	_ =	shalt  }
0x53: {  	_ =	shalt  }
0x54: {  	_ =	shalt  }
0x55: {  	_ =	shalt  }
0x56: {  	_ =	shalt  }
0x57: {  	_ =	shalt  }
0x58: {  	_ =	shalt  }
0x59: {  	_ =	shalt  }
0x5a: {  	_ =	shalt  }
0x5b: {  	_ =	shalt  }
0x5c: {  	_ =	shalt  }
0x5d: {  	_ =	shalt  }
0x5e: {  	_ =	shalt  }
0x5f: {  	_ =	shalt  }
0x60: {  	_ =	shalt  }
0x61: {  	_ =	shalt  }
0x62: {  	_ =	shalt  }
0x63: {  	_ =	shalt  }
0x64: {  	_ =	shalt  }
0x65: {  	_ =	shalt  }
0x66: {  	_ =	shalt  }
0x67: {  	_ =	shalt  }
0x68: {  	_ =	shalt  }
0x69: {  	_ =	shalt  }
0x6a: {  	_ =	shalt  }
0x6b: {  	_ =	shalt  }
0x6c: {  	_ =	shalt  }
0x6d: {  	_ =	shalt  }
0x6e: {  	_ =	shalt  }
0x6f: {  	_ =	shalt  }
0x70: {  	_ =	shalt  }
0x71: {  	_ =	shalt  }
0x72: {  	_ =	shalt  }
0x73: {  	_ =	shalt  }
0x74: {  	_ =	shalt  }
0x75: {  	_ =	shalt  }
0x76: {  	_ =	shalt  }
0x77: {  	_ =	shalt  }
0x78: {  	_ =	shalt  }
0x79: {  	_ =	shalt  }
0x7a: {  	_ =	shalt  }
0x7b: {  	_ =	shalt  }
0x7c: {  	_ =	shalt  }
0x7d: {  	_ =	shalt  }
0x7e: {  	_ =	shalt  }
0x7f: {  	_ =	shalt  }
0x80: {  	_ =	shalt  }
0x81: {  	_ =	shalt  }
0x82: {  	_ =	shalt  }
0x83: {  	_ =	shalt  }
0x84: {  	_ =	shalt  }
0x85: {  	_ =	shalt  }
0x86: {  	_ =	shalt  }
0x87: {  	_ =	shalt  }
.Lfunc_end0:
.L_simem_size_0:
called_computation_lowered:
.L_overlay_start_0:
0x88: {  	s2 =	sld [smem:$0x3FD9]  }
0x89: {  	s3 =	sld [smem:$0x3FFE];
	_ =	sdelay $0x1  }
0x8a: {  	s1 =	srdreg.scid  }
0x8b: {  	s0 =	sand.u32 $0x1, s1  }
0x8c: {  	s17 =	sshll.u32 s0, $0xA;
	s2 =	sadd.s32 s3, s2  }
0x8d: {  	s2 =	sadd.s32 s2, s17  }
0x8e: {  	[smem:$0x3FBF] =	sst s2  }
0x8f: {  	_ = 	snop  }
0x90: {  	s2 =	sld [smem:$0x3FC9];
	(tm) =	ssettm $0x1  }
0x91: {  	s18 =	sld [smem:$0x3FFB];
	_ =	sdelay $0x3  }
0x92: {  	_ =	strace s18  }
0x93: {  	s3 =	sld [smem:$0x3FFC];
	_ =	sdelay $0x3  }
0x94: {  	_ =	strace s3  }
0x95: {  	s3 =	sld [smem:$0x3FFD];
	_ =	sdelay $0x3  }
0x96: {  	_ =	strace s3  }
0x97: {  	_ =	strace $0x8FFFFFFF  }
0x98: {  	s19 =	sld [smem:$0x3FDB];
	_ =	sdelay $0x1  }
0x99: {  	s4 =	simm.s32 $_scs_section_size  }
0x9a: {  	s5 =	simm.s32 $_size__tile_overlayer_lowered;
	s6 =	simm.s32 $_tile_overlayer_lowered  }
0x9b: {  	s22 =	simm.s32 $0x1BFF;
	s21 =	sshll.u32 s6, $0x1;
	s3 =	sadd.s32 s4, s19  }
0x9c: {  	s7 =	simm.s32 $0x0;
	s20 =	sshll.u32 s5, $0x1;
	s5 =	sadd.s32 s21, s3  }
0x9d: {  	[timem:s7], [sflag:s22] =	dma.local [hbm:s5], s20  }
0x9e: {  	_ =	swait.ge [sflag:s22], s20  }
0x9f: {  	s4 =	ssub.s32 $0x0, s20;
	[sflag:s22] =	ssyncset.done $0x0  }
0xa0: {  	[sflag:s22] =	ssyncadd.s32 s4;
	_ =	sdelay $0x1  }
0xa1: {  	s23 =	simm.s32 $0x1B8B  }
0xa2: {  	_ =	swait.ge [sflag:s23], $0x1  }
0xa3: {  	[sflag:s23] =	ssyncset.done $0x0  }
0xa4: {  	s25 =	simm.s32 $0x1B8E;
	s24 =	sld [smem:$0x3FFE];
	[sflag:s23] =	ssyncadd.s32 $0xFFFFFFFF  }
0xa5: {  	s26 =	simm.s32 $execute0_lowered;
	[smem:$0x3FD2] =	sst s25  }
0xa6: {  	s5 =	sshll.u32 s26, $0x1;
	_ =	strace $0x80000046;
	[dreg:$0x1] =	wrdreg $0xFFFFFFFF  }
0xa7: {  	s28 =	simm.s32 $_size_execute0_lowered;
	s3 =	sadd.s32 s3, s5;
	[dreg:$0x0] =	wrdreg $0x0  }
0xa8: {  	s5 =	sshll.u32 s28, $0x1;
	[dreg:$0x2] =	wrdreg s3  }
0xa9: {  	[dreg:$0x3] =	wrdreg s5  }
0xaa: {  	[dreg:$0x4] =	wrdreg $0xC0  }
0xab: {  	_ =	task [dreg:s7], $0x5FFFF  }
0xac: {  	[dreg:$0x1] =	wrdreg $0xFFFFFFFF  }
0xad: {  	[dreg:$0x0] =	wrdreg $0x60  }
0xae: {  	[dreg:$0x2] =	wrdreg s2  }
0xaf: {  	[dreg:$0x3] =	wrdreg s24  }
0xb0: {  	[dreg:$0x4] =	wrdreg $0x19C800  }
0xb1: {  	[dreg:$0x5] =	wrdreg $0x1BC800  }
0xb2: {  	[dreg:$0x6] =	wrdreg $0x9  }
0xb3: {  	_ =	task.clear_ibuf [dreg:s7], $0x7FFFF;
	_ =	strace $0x90000046  }
0xb4: {  	s29 =	simm.s32 $0x9;
	_ =	strace $0x80000048  }
0xb5: {  	_ =	swait.ge [sflag:s29], $0x1  }
0xb6: {  	[sflag:s29] =	ssyncadd.s32 $0xFFFFFFFF  }
0xb7: {  	_ =	strace $0x90000048  }
0xb8: {  	_ =	sfence  }
0xb9: {  	s30 =	sld [smem:$0x0];
	_ =	sdelay $0x2  }
0xba: {  	s31 =	sshll.u32 s1, $0xD;
	s1 =	sshrl.u32 s1, $0x2  }
0xbb: {  	s3 =	sand.u32 $0x4000, s31;
	s1 =	sadd.s32 s1, s30  }
0xbc: {  	s0 =	sor.u32 s3, s0;
	s1 =	sshll.u32 s1, $0x11  }
0xbd: {  	s0 =	sor.u32 s1, s0  }
0xbe: {  	s0 =	sadd.s32 $0x8F2B, s0  }
0xbf: {  	[sflag:s0] =	ssyncadd.remote.s32 $0x1  }
0xc0: {  	_ =	sfence.sel $0xFFFF  }
0xc1: {  	[dreg:$0x0] =	wrdreg $0xFFFFFFFF;
	(pc) =	sbr.abs _section_cstart, $3  }
0xc2: {  	[dreg:$0x1] =	wrdreg $0xFFFFFFFF  }
0xc3: {  	_ =	task.clear_ibuf [dreg:s7], $0x2FFFF;
	_ =	strace $0x9FFFFFFF  }
0xc4: {  	(tm) =	ssettm $0x7FFFFFFF  }
0xc5: {  	_ =	shalt  }
tec
execute0_lowered:
.L_overlay_start_1:
0x0: {  	(tag) =	ssettag $0x1  }
0x1: {  	s1 =	rddreg [dreg:$0x0]  }
0x2: {  	s6 =	rddreg [dreg:$0x1]  }
0x3: {  	s3 =	rddreg [dreg:$0x2]  }
0x4: {  	s4 =	rddreg [dreg:$0x3]  }
0x5: {  	s0 =	rddreg [dreg:$0x4]  }
0x6: {  	s7 =	srdreg.scid;
	s2 =	stileid.u32  }
0x7: {  	s5 =	simm.s32 $0x0;
	s14 =	simm.s32 $0x2;
	s15 =	simm.s32 $0x80  }
0x8: {  	s16 =	simm.s32 $0x100;
	s17 =	simm.s32 $0x2980;
	s18 =	simm.s32 $0x1  }
0x9: {  	s19 =	simm.s32 $0x7C80;
	s20 =	simm.s32 $0xFC80;
	s21 =	simm.s32 $0x0  }
0xa: {  	s7 =	sand.u32 $0x1, s7;
	s8 =	sshll.u32 s2, $0x1;
	[smem:$0x7FF] =	sst s5  }
0xb: {  	s9 =	sshll.u32 s2, $0xD;
	s8 =	sor.u32 s7, s8;
	s10 =	sshll.u32 s7, $0x11  }
0xc: {  	_ =	strace $0x80000047;
	s7 =	ssub.s32 $0x2, s7;
	s8 =	smul.u32 $0xA00, s8  }
.Ltmp0:
0xd: {  	s10 =	sor.u32 s9, s10;
	s31 =	sshrl.u32 s7, $0x1;
	(pc) =	sbr.rel .LBB2_1-.Ltmp0, $4  }
0xe: {  	s30 =	sshrl.u32 s10, $0x3;
	s13 =	ssub.s32 s7, s31;
	s7 =	sadd.s32 s9, s4  }
0xf: {  	s11 =	sadd.s32 s8, s6;
	s12 =	sadd.s32 s30, s6;
	s6 =	sadd.s32 s9, s3  }
0x10: {  	s8 =	sadd.s32 $0x2C00, s11;
	s9 =	sadd.s32 $0x2C10, s11;
	s10 =	sadd.s32 $0x16C00, s12  }
0x11: {  	v0 =	vimm.f32 $0.0e+00;
	v1 =	vimm.f32 $1.000000000e+00;
	v2 =	vimm.s32 $0x3E8;
	s11 =	sadd.s32 $0x1EC00, s12;
	s12 =	smax.u32 s13, $0x1;
	s13 =	simm.s32 $0x17C80  }
.LBB2_14:
0x12: {  	[sflag:s14] =	ssyncadd.s32 $0xFFFF8000  }
.LBB2_15:
0x13: {  	[bflag:$0x0] =	sbarrier.arrive $0xFFFF  }
0x14: {  	[tilespmem:s13], [sflag:$0x2] =	stream.linear.gather [spmem:s6], $0x2000, $0x38;
	[tilespmem:$0x1DC80] =	vst v63  }
0x15: {  	_ =	swait.ge [sflag:s14], $0x2000  }
0x16: {  	[sflag:s14] =	ssyncset.done $0x0  }
0x17: {  	[sflag:s14] =	ssyncadd.s32 $0xFFFFE000  }
0x18: {  	[hbm4b:s10+s5] =	stream.linear.scatter [tilespmem:s13], [sflag:$0x2], $0x2000, $0x38;
	[tilespmem:$0x1DC80] =	vst v63  }
0x19: {  	_ =	swait.ge [sflag:s14], $0x2000  }
0x1a: {  	[sflag:s14] =	ssyncset.done $0x0  }
0x1b: {  	[sflag:s14] =	ssyncadd.s32 $0xFFFFE000  }
0x1c: {  	[tilespmem:s13], [sflag:$0x2] =	stream.linear.gather [spmem:s7], $0x2000, $0x38;
	[tilespmem:$0x1DC80] =	vst v63  }
0x1d: {  	s21 =	sadd.s32 $0x1, s21;
	_ =	swait.ge [sflag:s14], $0x2000  }
0x1e: {  	p0 =	sne.s32 s21, s12;
	[sflag:s14] =	ssyncset.done $0x0  }
.Ltmp1:
0x1f: {  	[sflag:s14] =	ssyncadd.s32 $0xFFFFE000;
	(pc) =	sbr.rel @!p0 .LBB2_16-.Ltmp1, $4  }
0x20: {  	[hbm4b:s11+s5] =	stream.linear.scatter [tilespmem:s13], [sflag:$0x2], $0x2000, $0x38;
	[tilespmem:$0x1DC80] =	vst v63  }
0x21: {  	_ =	swait.ge [sflag:s14], $0x2000  }
0x22: {  	[sflag:s14] =	ssyncset.done $0x0  }
0x23: {  	[sflag:s14] =	ssyncadd.s32 $0xFFFFE000  }
.LBB2_1:
0x24: {  	s22 =	simm.s32 $0x0;
	s23 =	simm.s32 $0x200  }
.LBB2_2:
0x25: {  	p0 =	sne.s32 s23, $0x7E00;
	[tilespmem:s22+$0x17CF0] =	vst v0  }
0x26: {  	[tilespmem:s22+$0x17C80] =	vst v0  }
0x27: {  	[tilespmem:s22+$0x17C90] =	vst v0  }
.Ltmp2:
0x28: {  	[tilespmem:s22+$0x17CA0] =	vst v0;
	(pc) =	sbr.rel @p0 .LBB2_2-.Ltmp2, $4  }
0x29: {  	[tilespmem:s22+$0x17CB0] =	vst v0  }
0x2a: {  	[tilespmem:s22+$0x17CC0] =	vst v0  }
0x2b: {  	[tilespmem:s22+$0x17CD0] =	vst v0  }
0x2c: {  	[tilespmem:s22+$0x17CE0] =	vst v0;
	s22 =	sshra.s32 s23, $0x2;
	s23 =	sadd.s32 $0x200, s23  }
0x2d: {  	[tilespmem:s22+$0x17CF0] =	vst v0  }
0x2e: {  	[tilespmem:s22+$0x17C80] =	vst v0  }
0x2f: {  	[tilespmem:s22+$0x17C90] =	vst v0  }
0x30: {  	[tilespmem:s22+$0x17CA0] =	vst v0  }
0x31: {  	[tilespmem:s22+$0x17CB0] =	vst v0  }
0x32: {  	[tilespmem:s22+$0x17CC0] =	vst v0  }
0x33: {  	[tilespmem:s22+$0x17CD0] =	vst v0  }
0x34: {  	[tilespmem:s22+$0x17CE0] =	vst v0  }
0x35: {  	[spmem:s6] =	stream.linear.scatter [tilespmem:s13], [sflag:$0x2], $0x2000, $0x38;
	[tilespmem:$0x1DC80] =	vst v63  }
0x36: {  	_ =	swait.ge [sflag:s14], $0x2000  }
0x37: {  	[sflag:s14] =	ssyncset.done $0x0  }
0x38: {  	[sflag:s14] =	ssyncadd.s32 $0xFFFFE000  }
0x39: {  	[spmem:s7] =	stream.linear.scatter [tilespmem:s13], [sflag:$0x2], $0x2000, $0x38;
	[tilespmem:$0x1DC80] =	vst v63  }
0x3a: {  	_ =	swait.ge [sflag:s14], $0x2000  }
0x3b: {  	[sflag:s14] =	ssyncset.done $0x0  }
0x3c: {  	s22 =	simm.s32 $0x0;
	s23 =	simm.s32 $0x200;
	[sflag:s14] =	ssyncadd.s32 $0xFFFFE000  }
.LBB2_4:
0x3d: {  	p0 =	sne.s32 s23, $0x1FE00;
	[tilespmem:s22+$0xFCF0] =	vst v1  }
0x3e: {  	[tilespmem:s22+$0xFC80] =	vst v1  }
0x3f: {  	[tilespmem:s22+$0xFC90] =	vst v1  }
.Ltmp3:
0x40: {  	[tilespmem:s22+$0xFCA0] =	vst v1;
	(pc) =	sbr.rel @p0 .LBB2_4-.Ltmp3, $4  }
0x41: {  	[tilespmem:s22+$0xFCB0] =	vst v1  }
0x42: {  	[tilespmem:s22+$0xFCC0] =	vst v1  }
0x43: {  	[tilespmem:s22+$0xFCD0] =	vst v1  }
0x44: {  	[tilespmem:s22+$0xFCE0] =	vst v1;
	s22 =	sshra.s32 s23, $0x2;
	s23 =	sadd.s32 $0x200, s23  }
0x45: {  	[tilespmem:s22+$0xFCF0] =	vst v1  }
0x46: {  	[tilespmem:s22+$0xFC80] =	vst v1  }
0x47: {  	[tilespmem:s22+$0xFC90] =	vst v1  }
0x48: {  	[tilespmem:s22+$0xFCA0] =	vst v1  }
0x49: {  	[tilespmem:s22+$0xFCB0] =	vst v1  }
0x4a: {  	[tilespmem:s22+$0xFCC0] =	vst v1  }
0x4b: {  	[tilespmem:s22+$0xFCD0] =	vst v1  }
0x4c: {  	[tilespmem:s22+$0xFCE0] =	vst v1;
	s23 =	simm.s32 $0x0  }
0x4d: {  	[tilespmem:s23], [sflag:$0x2] =	stream.strided.gather [hbm4b:s8+s15], $0x2800, s16, s15, $0x38;
	[tilespmem:$0x1DC80] =	vst v63  }
0x4e: {  	_ =	swait.ge [sflag:s14], $0x2800  }
0x4f: {  	[sflag:s14] =	ssyncset.done $0x0  }
0x50: {  	[sflag:s14] =	ssyncadd.s32 $0xFFFFD800  }
0x51: {  	[tilespmem:s17], [sflag:$0x2] =	stream.strided.gather [hbm4b:s9+s15], $0x2800, s16, s15, $0x38;
	[tilespmem:$0x1DC80] =	vst v63  }
0x52: {  	_ =	swait.ge [sflag:s14], $0x2800  }
0x53: {  	[sflag:s14] =	ssyncset.done $0x0  }
0x54: {  	s22 =	simm.s32 $0x0;
	[sflag:s14] =	ssyncadd.s32 $0xFFFFD800  }
0x55: {  	v3 =	vld [tilespmem:s22+$0x0]  }
0x56: {  	s25 =	simm.s32 $0x40;
	s24 =	simm.s32 $0x0;
	v4 =	vld [tilespmem:s22+$0x2980]  }
.LBB2_6:
0x57: {  	p0 =	sne.s32 s25, $0x9FC0  }
.Ltmp4:
0x58: {  	_ = 	snop;
	(pc) =	sbr.rel @p0 .LBB2_6-.Ltmp4, $4  }
0x59: {  	_ = 	snop  }
0x5a: {  	s26 =	sshra.s32 s25, $0x2;
	s25 =	sadd.s32 $0x40, s25;
	v5 =	vshll.u32 v3, $0xD  }
0x5b: {  	v3 =	vld [tilespmem:s26+$0x0];
	v5 =	vadd.s32 v4, v5  }
0x5c: {  	v4 =	vld [tilespmem:s26+$0x2980];
	[tilespmem:s24+$0x5300] =	vst v5;
	s24 =	smov.u32 s26  }
0x5d: {  	_ =	sdelay $0x2  }
0x5e: {  	v3 =	vshll.u32 v3, $0xD  }
0x5f: {  	v3 =	vadd.s32 v4, v3  }
0x60: {  	[tilespmem:s24+$0x5300] =	vst v3  }
0x61: {  	v3 =	vld [tilespmem:s22+$0x5300];
	_ =	sdelay $0x4  }
0x62: {  	(v2sf) =	vpush v3, $0x5  }
0x63: {  	(v2sf) =	vpush v3, $0x8;
	_ =	sdelay $0x2  }
0x64: {  	(v2sf) =	vpush v3, $0x6  }
0x65: {  	(v2sf) =	vpush v3, $0x2  }
0x66: {  	(v2sf) =	vpush v3, $0x4  }
0x67: {  	(v2sf) =	vpush v3, $0x1  }
0x68: {  	(v2sf) =	vpush v3, $0x0;
	_ =	sdelay $0x1  }
0x69: {  	(v2sf) =	vpush v3, $0x3;
	_ =	sdelay $0x3  }
0x6a: {  	(v2sf) =	vpush v3, $0x7  }
0x6b: {  	(v2sf) =	vpush v3, $0x9;
	s29 =	spop (v2sf)  }
0x6c: {  	s25 =	spop (v2sf);
	(v2sf) =	vpush v3, $0xA;
	_ =	sdelay $0x1  }
0x6d: {  	s24 =	sand.u32 $0x1FF8, s29  }
0x6e: {  	s26 =	spop (v2sf);
	p3 =	slt.u32 s24, $0x3E8;
	s30 =	sand.u32 $0x1FF8, s25  }
0x6f: {  	s31 =	spop (v2sf);
	s26 =	sand.u32 $0x1FF8, s26;
	p0 =	slt.u32 s30, $0x3E8  }
0x70: {  	s25 =	sand.u32 $0x1FF8, s31;
	p1 =	slt.u32 s26, $0x3E8;
	s28 =	spop (v2sf)  }
0x71: {  	(v2sf) =	vpush v3, $0xB;
	s26 =	simm.s32 $0x1;
	p2 =	slt.u32 s25, $0x3E8;
	s29 =	spop (v2sf)  }
0x72: {  	s24 =	sand.u32 $0x1FF8, s28;
	s25 =	sand.u32 $0x1FF8, s29;
	s28 =	spop (v2sf)  }
0x73: {  	(v2sf) =	vpush v3, $0xC;
	s26 =	simm.s32 @!p3 $0x0;
	s28 =	sand.u32 $0x1FF8, s28;
	p4 =	slt.u32 s25, $0x3E8  }
0x74: {  	(v2sf) =	vpush v3, $0xD;
	s30 =	spop (v2sf);
	p3 =	slt.u32 s28, $0x3E8;
	s28 =	simm.s32 $0x1  }
0x75: {  	v4 =	vbroadcast v3, $0x0;
	s25 =	sand.u32 $0x1FF8, s30;
	s30 =	simm.s32 $0x1;
	s28 =	simm.s32 @!p3 $0x0  }
0x76: {  	v5 =	vbroadcast v3, $0x1;
	p3 =	slt.u32 s25, $0x3E8;
	s30 =	simm.s32 @!p4 $0x0;
	s25 =	sadd.s32 $0x0, s28  }
0x77: {  	[tilespmem:s23+$0x0] =	vst v4;
	v4 =	vbroadcast v3, $0x2;
	s31 =	sadd.s32 s30, s25;
	s30 =	simm.s32 $0x1  }
0x78: {  	s23 =	simm.s32 $0x1;
	s29 =	spop (v2sf);
	[tilespmem:s25+$0x0] =	vst v5;
	v5 =	vbroadcast v3, $0x3;
	s30 =	simm.s32 @!p2 $0x0  }
0x79: {  	s23 =	simm.s32 @!p3 $0x0;
	[tilespmem:s31+$0x0] =	vst v4;
	s30 =	sadd.s32 s30, s31;
	s31 =	spop (v2sf)  }
0x7a: {  	s23 =	sadd.s32 s23, s30;
	[tilespmem:s30+$0x0] =	vst v5;
	s30 =	sand.u32 $0x1FF8, s31;
	s31 =	spop (v2sf);
	(v2sf) =	vpush v3, $0xE  }
0x7b: {  	s22 =	simm.s32 $0x40;
	s25 =	simm.s32 $0x1;
	p2 =	slt.u32 s24, $0x3E8;
	v4 =	vbroadcast v3, $0x4;
	(v2sf) =	vpush v3, $0xF  }
0x7c: {  	s28 =	sand.u32 $0x1FF8, s29;
	s24 =	simm.s32 $0x1;
	s25 =	simm.s32 @!p2 $0x0;
	v5 =	vbroadcast v3, $0x5  }
0x7d: {  	p2 =	slt.u32 s28, $0x3E8;
	s24 =	simm.s32 @!p1 $0x0;
	s25 =	sadd.s32 s25, s23;
	[tilespmem:s23+$0x0] =	vst v4;
	v4 =	vbroadcast v3, $0x6  }
0x7e: {  	p3 =	slt.u32 s30, $0x3E8;
	[tilespmem:s25+$0x0] =	vst v5;
	s25 =	sadd.s32 s26, s25;
	v5 =	vbroadcast v3, $0x7;
	s26 =	simm.s32 $0x1  }
0x7f: {  	s23 =	sand.u32 $0x1FF8, s31;
	[tilespmem:s25+$0x0] =	vst v4;
	s24 =	sadd.s32 s24, s25;
	s26 =	simm.s32 @!p2 $0x0  }
0x80: {  	p2 =	slt.u32 s23, $0x3E8;
	[tilespmem:s24+$0x0] =	vst v5;
	s23 =	sadd.s32 s26, s24;
	s24 =	spop (v2sf)  }
.LBB2_8:
0x81: {  	s25 =	simm.s32 $0x1;
	s24 =	sand.u32 $0x1FF8, s24  }
0x82: {  	s26 =	spop (v2sf);
	s28 =	simm.s32 $0x1;
	s25 =	simm.s32 @!p0 $0x0  }
0x83: {  	v4 =	vbroadcast v3, $0x8;
	p0 =	slt.u32 s24, $0x3E8;
	s24 =	sand.u32 $0x1FF8, s26;
	s26 =	spop (v2sf)  }
0x84: {  	v5 =	vbroadcast v3, $0x9;
	s28 =	simm.s32 @!p3 $0x0;
	p1 =	slt.u32 s24, $0x3E8;
	s24 =	sand.u32 $0x1FF8, s26  }
0x85: {  	s26 =	simm.s32 $0x1;
	[tilespmem:s23+$0x0] =	vst v4;
	s23 =	sadd.s32 s25, s23;
	s25 =	simm.s32 $0x1  }
0x86: {  	v4 =	vbroadcast v3, $0xA;
	s25 =	simm.s32 @!p1 $0x0;
	p1 =	slt.u32 s24, $0x3E8;
	s24 =	simm.s32 $0x1  }
0x87: {  	[tilespmem:s23+$0x0] =	vst v5;
	s23 =	sadd.s32 s28, s23;
	s24 =	simm.s32 @!p2 $0x0;
	v5 =	vbroadcast v3, $0xB;
	s26 =	simm.s32 @!p1 $0x0  }
0x88: {  	[tilespmem:s23+$0x0] =	vst v4;
	s23 =	sadd.s32 s24, s23;
	s24 =	simm.s32 $0x1  }
0x89: {  	v4 =	vbroadcast v3, $0xC;
	s28 =	spop (v2sf);
	s24 =	simm.s32 @!p0 $0x0  }
0x8a: {  	[tilespmem:s23+$0x0] =	vst v5;
	s23 =	sadd.s32 s24, s23;
	v5 =	vbroadcast v3, $0xD;
	s24 =	sand.u32 $0x1FF8, s28;
	s28 =	spop (v2sf)  }
0x8b: {  	[tilespmem:s23+$0x0] =	vst v4;
	s23 =	sadd.s32 s25, s23  }
0x8c: {  	v4 =	vbroadcast v3, $0xE;
	p0 =	slt.u32 s24, $0x3E8;
	s24 =	sand.u32 $0x1FF8, s28;
	s25 =	simm.s32 $0x1  }
0x8d: {  	v3 =	vbroadcast v3, $0xF;
	[tilespmem:s23+$0x0] =	vst v5;
	s23 =	sadd.s32 s26, s23;
	s25 =	simm.s32 @!p0 $0x0;
	p0 =	slt.u32 s24, $0x3E8  }
0x8e: {  	[tilespmem:s23+$0x0] =	vst v4;
	s23 =	sadd.s32 s25, s23;
	s25 =	simm.s32 $0x1  }
0x8f: {  	s24 =	sshra.s32 s22, $0x2;
	s25 =	simm.s32 @!p0 $0x0  }
0x90: {  	p1 =	sne.s32 s22, $0x9FC0;
	s22 =	sadd.s32 $0x40, s22;
	[tilespmem:s23+$0x0] =	vst v3;
	s23 =	sadd.s32 s25, s23  }
0x91: {  	v3 =	vld [tilespmem:s24+$0x5300];
	_ =	sdelay $0x4  }
0x92: {  	v4 =	vbroadcast v3, $0x0;
	(v2sf) =	vpush v3, $0x5  }
0x93: {  	(v2sf) =	vpush v3, $0x8  }
0x94: {  	(v2sf) =	vpush v3, $0x6  }
0x95: {  	(v2sf) =	vpush v3, $0x2  }
0x96: {  	(v2sf) =	vpush v3, $0x4  }
0x97: {  	(v2sf) =	vpush v3, $0x1  }
0x98: {  	(v2sf) =	vpush v3, $0x0  }
0x99: {  	(v2sf) =	vpush v3, $0x3  }
0x9a: {  	(v2sf) =	vpush v3, $0x7;
	_ =	sdelay $0x3  }
0x9b: {  	(v2sf) =	vpush v3, $0x9;
	_ =	sdelay $0x1  }
0x9c: {  	(v2sf) =	vpush v3, $0xA  }
0x9d: {  	s24 =	spop (v2sf)  }
0x9e: {  	s24 =	sand.u32 $0x1FF8, s24;
	s25 =	spop (v2sf)  }
0x9f: {  	p4 =	slt.u32 s24, $0x3E8;
	s24 =	sand.u32 $0x1FF8, s25;
	s25 =	spop (v2sf);
	(v2sf) =	vpush v3, $0xB  }
0xa0: {  	s25 =	sand.u32 $0x1FF8, s25;
	p0 =	slt.u32 s24, $0x3E8;
	s24 =	spop (v2sf);
	(v2sf) =	vpush v3, $0xC  }
0xa1: {  	s24 =	sand.u32 $0x1FF8, s24;
	p2 =	slt.u32 s25, $0x3E8;
	s25 =	spop (v2sf);
	(v2sf) =	vpush v3, $0xD  }
0xa2: {  	p3 =	slt.u32 s24, $0x3E8;
	s24 =	sand.u32 $0x1FF8, s25;
	s25 =	spop (v2sf)  }
0xa3: {  	s29 =	simm.s32 $0x1;
	s26 =	simm.s32 $0x1;
	s28 =	spop (v2sf)  }
0xa4: {  	s26 =	simm.s32 @!p4 $0x0;
	s25 =	sand.u32 $0x1FF8, s25;
	s28 =	sand.u32 $0x1FF8, s28  }
0xa5: {  	p4 =	slt.u32 s25, $0x3E8;
	s25 =	spop (v2sf);
	p5 =	slt.u32 s28, $0x3E8  }
0xa6: {  	s25 =	sand.u32 $0x1FF8, s25;
	s28 =	spop (v2sf);
	(v2sf) =	vpush v3, $0xE;
	s29 =	simm.s32 @!p5 $0x0  }
0xa7: {  	v5 =	vbroadcast v3, $0x1;
	p5 =	slt.u32 s25, $0x3E8;
	s25 =	sand.u32 $0x1FF8, s28;
	(v2sf) =	vpush v3, $0xF;
	s28 =	simm.s32 $0x1  }
0xa8: {  	[tilespmem:s23+$0x0] =	vst v4;
	s23 =	sadd.s32 s29, s23;
	s28 =	simm.s32 @!p4 $0x0;
	v4 =	vbroadcast v3, $0x2;
	p4 =	slt.u32 s25, $0x3E8  }
0xa9: {  	s25 =	simm.s32 $0x1;
	[tilespmem:s23+$0x0] =	vst v5;
	s23 =	sadd.s32 s28, s23  }
0xaa: {  	s25 =	simm.s32 @!p3 $0x0;
	v5 =	vbroadcast v3, $0x3;
	p3 =	slt.u32 s24, $0x3E8;
	s24 =	simm.s32 $0x1  }
0xab: {  	[tilespmem:s23+$0x0] =	vst v4;
	s23 =	sadd.s32 s25, s23;
	s24 =	simm.s32 @!p5 $0x0;
	v4 =	vbroadcast v3, $0x4;
	s25 =	spop (v2sf)  }
0xac: {  	[tilespmem:s23+$0x0] =	vst v5;
	s23 =	sadd.s32 s24, s23;
	s24 =	simm.s32 $0x1;
	s25 =	sand.u32 $0x1FF8, s25  }
0xad: {  	v5 =	vbroadcast v3, $0x5;
	s24 =	simm.s32 @!p3 $0x0;
	p3 =	slt.u32 s25, $0x3E8;
	s25 =	simm.s32 $0x1  }
.Ltmp5:
0xae: {  	[tilespmem:s23+$0x0] =	vst v4;
	s23 =	sadd.s32 s24, s23;
	v4 =	vbroadcast v3, $0x6;
	s24 =	spop (v2sf);
	(pc) =	sbr.rel @p1 .LBB2_8-.Ltmp5, $4  }
0xaf: {  	s25 =	simm.s32 @!p2 $0x0;
	[tilespmem:s23+$0x0] =	vst v5;
	s23 =	sadd.s32 s26, s23;
	v5 =	vbroadcast v3, $0x7;
	s24 =	sand.u32 $0x1FF8, s24  }
0xb0: {  	[tilespmem:s23+$0x0] =	vst v4;
	s23 =	sadd.s32 s25, s23;
	s25 =	simm.s32 $0x1  }
0xb1: {  	p2 =	slt.u32 s24, $0x3E8;
	s25 =	simm.s32 @!p4 $0x0  }
0xb2: {  	[tilespmem:s23+$0x0] =	vst v5;
	s23 =	sadd.s32 s25, s23;
	s24 =	spop (v2sf)  }
0xb3: {  	s22 =	simm.s32 $0x1;
	s24 =	sand.u32 $0x1FF8, s24  }
0xb4: {  	s25 =	spop (v2sf);
	s26 =	simm.s32 $0x1;
	s22 =	simm.s32 @!p0 $0x0  }
0xb5: {  	v4 =	vbroadcast v3, $0x8;
	p0 =	slt.u32 s24, $0x3E8;
	s28 =	sand.u32 $0x1FF8, s25;
	s29 =	spop (v2sf)  }
0xb6: {  	s26 =	simm.s32 @!p3 $0x0;
	s24 =	simm.s32 $0x1;
	p1 =	slt.u32 s28, $0x3E8  }
0xb7: {  	s25 =	sand.u32 $0x1FF8, s29;
	s22 =	sadd.s32 s22, s23;
	[tilespmem:s23+$0x0] =	vst v4;
	s23 =	simm.s32 $0x1  }
0xb8: {  	v5 =	vbroadcast v3, $0x9;
	s28 =	simm.s32 $0x1;
	s29 =	spop (v2sf);
	s24 =	simm.s32 @!p1 $0x0  }
0xb9: {  	v4 =	vbroadcast v3, $0xA;
	p1 =	slt.u32 s25, $0x3E8;
	s30 =	sadd.s32 s26, s22;
	s26 =	simm.s32 $0x1  }
0xba: {  	[tilespmem:s22+$0x0] =	vst v5;
	v5 =	vbroadcast v3, $0xB;
	s28 =	simm.s32 @!p0 $0x0;
	s25 =	simm.s32 $0x1;
	s26 =	simm.s32 @!p2 $0x0  }
0xbb: {  	[tilespmem:s30+$0x0] =	vst v4;
	s23 =	simm.s32 @!p1 $0x0;
	v4 =	vbroadcast v3, $0xC;
	s31 =	sadd.s32 s26, s30;
	s26 =	sand.u32 $0x1FF8, s29  }
0xbc: {  	s30 =	sadd.s32 s28, s31;
	[tilespmem:s31+$0x0] =	vst v5;
	v5 =	vbroadcast v3, $0xD;
	s31 =	spop (v2sf);
	p0 =	slt.u32 s26, $0x3E8  }
0xbd: {  	s24 =	sadd.s32 s24, s30;
	[tilespmem:s30+$0x0] =	vst v4;
	v4 =	vbroadcast v3, $0xE;
	s22 =	sand.u32 $0x1FF8, s31;
	s25 =	simm.s32 @!p0 $0x0  }
0xbe: {  	v3 =	vbroadcast v3, $0xF;
	s23 =	sadd.s32 s23, s24;
	[tilespmem:s24+$0x0] =	vst v5;
	p0 =	slt.u32 s22, $0x3E8;
	s22 =	simm.s32 $0x1  }
0xbf: {  	[tilespmem:s23+$0x0] =	vst v4;
	s23 =	sadd.s32 s25, s23;
	s22 =	simm.s32 @!p0 $0x0  }
0xc0: {  	[tilespmem:s23+$0x0] =	vst v3;
	s22 =	sadd.s32 s22, s23  }
0xc1: {  	[tilespmem:s22+$0x0] =	vst v2  }
0xc2: {  	[tilespmem:s22+$0x10] =	vst v2  }
0xc3: {  	[tilespmem:s22+$0x20] =	vst v2  }
0xc4: {  	[tilespmem:s22+$0x30] =	vst v2  }
0xc5: {  	[tilespmem:s22+$0x40] =	vst v2  }
0xc6: {  	[tilespmem:s22+$0x50] =	vst v2  }
0xc7: {  	[tilespmem:s22+$0x60] =	vst v2  }
0xc8: {  	[tilespmem:s22+$0x70] =	vst v2  }
0xc9: {  	[tilespmem:s22+$0x80] =	vst v2  }
0xca: {  	[tilespmem:s22+$0x90] =	vst v2  }
0xcb: {  	[tilespmem:s22+$0xA0] =	vst v2  }
0xcc: {  	[tilespmem:s22+$0xB0] =	vst v2  }
0xcd: {  	[tilespmem:s22+$0xC0] =	vst v2  }
0xce: {  	[tilespmem:s22+$0xD0] =	vst v2  }
0xcf: {  	[tilespmem:s22+$0xE0] =	vst v2  }
0xd0: {  	[tilespmem:s22+$0xF0] =	vst v2  }
0xd1: {  	s23 =	simm.s32 $0x0;
	[tilespmem:s22+$0x100] =	vst v2  }
0xd2: {  	v3 =	vld [tilespmem:s23+$0x0];
	_ =	sdelay $0x4  }
0xd3: {  	v4 =	vshra.s32 v3, $0xD  }
0xd4: {  	s24 =	simm.s32 $0x10;
	s25 =	simm.s32 $0x80;
	v3 =	vand.u32 $0x1FFF, v3;
	[tilespmem:s23+$0x0] =	vst v4  }
.LBB2_10:
0xd5: {  	p0 =	sne.s32 s25, $0xA400;
	v4 =	vld [tilespmem:s24+$0x0];
	[tilespmem:s23+$0x2980] =	vst v3;
	s23 =	smov.u32 s24;
	_ =	sdelay $0x1  }
.Ltmp6:
0xd6: {  	(pc) =	sbr.rel @p0 .LBB2_10-.Ltmp6, $3  }
0xd7: {  	_ =	sdelay $0x1  }
0xd8: {  	v5 =	vshra.s32 v4, $0xD;
	v3 =	vand.u32 $0x1FFF, v4  }
0xd9: {  	s24 =	sshra.s32 s25, $0x2;
	s25 =	sadd.s32 $0x40, s25;
	[tilespmem:s23+$0x0] =	vst v5  }
0xda: {  	s22 =	sadd.s32 $0xFF, s22  }
0xdb: {  	s25 =	sand.u32 $0xFF, s22  }
0xdc: {  	s31 =	sshra.s32 s22, $0x1F;
	p1 =	slt.s32 s22, $0x1;
	p0 =	sne.s32 s25, $0x0  }
0xdd: {  	v4 =	vld [tilespmem:s24+$0x0];
	s25 =	sshrl.u32 s31, $0x18;
	p0 =	por !p1, !p0  }
0xde: {  	s22 =	sadd.s32 s25, s22;
	s25 =	simm.s32 $0x1;
	p0 =	por !p0, !p0  }
0xdf: {  	s22 =	sshra.s32 s22, $0x8;
	s25 =	simm.s32 @!p0 $0x0  }
0xe0: {  	s25 =	ssub.s32 s22, s25  }
0xe1: {  	p0 =	slt.s32 s25, $0x1  }
.Ltmp7:
0xe2: {  	[tilespmem:s23+$0x2980] =	vst v3;
	v3 =	vshra.s32 v4, $0xD;
	(pc) =	sbr.rel @p0 .LBB2_15-.Ltmp7, $3  }
0xe3: {  	v4 =	vand.u32 $0x1FFF, v4;
	[tilespmem:s24+$0x0] =	vst v3  }
0xe4: {  	[tilespmem:s24+$0x2980] =	vst v4  }
0xe5: {  	[bflag:$0x0] =	sbarrier.arrive $0xFFFF;
	_ =	sdelay $0x1  }
0xe6: {  	s22 =	simm.s32 $0x0  }
0xe7: {  	[tilespmem:s19], [sflag:$0x1] =	stream.indirect.gather [hbm4b:s1+s16], $0x80, s22, s16, $0xb8;
	[tilespmem:$0x1DC80] =	vst v63  }
0xe8: {  	s23 =	simm.s32 $0x2980  }
0xe9: {  	[spmem:s4] =	stream.indirect.scatter.add.f32 [tilespmem:s20], [sflag:$0x2], $0x80, s23, s16, $0xb8;
	[tilespmem:$0x1DC80] =	vst v63  }
0xea: {  	_ =	swait.ge [sflag:s14], $0x8000  }
0xeb: {  	[sflag:s14] =	ssyncset.done $0x0  }
0xec: {  	[sflag:s14] =	ssyncadd.s32 $0xFFFF8000  }
0xed: {  	p0 =	sne.s32 s25, $0x1;
	_ =	swait.ge [sflag:s18], $0x8000  }
.Ltmp8:
0xee: {  	[sflag:s18] =	ssyncset.done $0x0;
	(pc) =	sbr.rel @!p0 .LBB2_14-.Ltmp8, $4  }
0xef: {  	[sflag:s18] =	ssyncadd.s32 $0xFFFF8000  }
0xf0: {  	[spmem:s3] =	stream.indirect.scatter.add.f32 [tilespmem:s19], [sflag:$0x2], $0x80, s23, s16, $0xb8;
	[tilespmem:$0x1DC80] =	vst v63  }
0xf1: {  	_ =	swait.ge [sflag:s14], $0x8000  }
0xf2: {  	s24 =	sadd.s32 $0xFFFFFFFF, s25;
	[sflag:s14] =	ssyncset.done $0x0  }
.LBB2_13:
0xf3: {  	[sflag:s14] =	ssyncadd.s32 $0xFFFF8000;
	s22 =	sadd.s32 $0x100, s22;
	s23 =	sadd.s32 $0x100, s23  }
0xf4: {  	[tilespmem:s19], [sflag:$0x1] =	stream.indirect.gather [hbm4b:s1+s16], $0x80, s22, s16, $0xb8;
	[tilespmem:$0x1DC80] =	vst v63  }
0xf5: {  	p0 =	sne.s32 s24, $0x1;
	s24 =	sadd.s32 $0xFFFFFFFF, s24  }
0xf6: {  	[spmem:s4] =	stream.indirect.scatter.add.f32 [tilespmem:s20], [sflag:$0x2], $0x80, s23, s16, $0xb8;
	[tilespmem:$0x1DC80] =	vst v63  }
0xf7: {  	_ =	swait.ge [sflag:s14], $0x8000  }
0xf8: {  	[sflag:s14] =	ssyncset.done $0x0  }
0xf9: {  	[sflag:s14] =	ssyncadd.s32 $0xFFFF8000  }
0xfa: {  	_ =	swait.ge [sflag:s18], $0x8000  }
.Ltmp9:
0xfb: {  	[sflag:s18] =	ssyncset.done $0x0;
	(pc) =	sbr.rel @p0 .LBB2_13-.Ltmp9, $4  }
0xfc: {  	[sflag:s18] =	ssyncadd.s32 $0xFFFF8000  }
0xfd: {  	[spmem:s3] =	stream.indirect.scatter.add.f32 [tilespmem:s19], [sflag:$0x2], $0x80, s23, s16, $0xb8;
	[tilespmem:$0x1DC80] =	vst v63  }
0xfe: {  	_ =	swait.ge [sflag:s14], $0x8000  }
0xff: {  	[sflag:s14] =	ssyncset.done $0x0  }
.Ltmp10:
0x100: {  	_ = 	snop;
	(pc) =	sbr.rel .LBB2_14-.Ltmp10, $1  }
0x101: {  	_ =	sdelay $0x3  }
.LBB2_16:
0x102: {  	_ =	sfence.sel $0x180000  }
0x103: {  	[bflag:$0x0] =	sbarrier.arrive $0xFFFF  }
0x104: {  	p0 =	sne.s32 s2, $0x0;
	_ =	strace $0x90000047  }
0x105: {  	s0 =	sadd.s32 @!p0 $0x100000, s0;
	[bflag:$0x2] =	sbarrier.arrive $0xFFFF  }
0x106: {  	[sflag:s0] =	ssyncadd.tile.s32 @!p0 $0x1;
	_ =	shalt  }
.Lfunc_end2:
_tile_overlayer_lowered:
.L_overlay_start_2:
0x107: {  	(tag) =	ssettag $0x2  }
0x108: {  	s0 =	rddreg [dreg:$0x0];
	s2 =	stileid.u32  }
0x109: {  	s1 =	rddreg [dreg:$0x1];
	p0 =	sne.s32 s2, $0x0  }
0x10a: {  	s3 =	rddreg [dreg:$0x2];
	[bflag:$0x3] =	sbarrier.arrive $0xFFFF;
	s2 =	simm.s32 @!p0 $0x1C02  }
0x10b: {  	[timem:s3], [sflag:s2] =	dma.local @!p0 [hbm:s0], s1  }
0x10c: {  	s0 =	simm.s32 @!p0 $0x2  }
0x10d: {  	_ =	swait.ge @!p0 [sflag:s0], s1  }
0x10e: {  	s1 =	ssub.s32 @!p0 $0x0, s1;
	[sflag:s0] =	ssyncset.done @!p0 $0x0  }
0x10f: {  	[sflag:s0] =	ssyncadd.s32 @!p0 s1  }
0x110: {  	[bflag:$0x3] =	sbarrier.arrive $0xFFFF  }
0x111: {  	_ =	shalt  }

// kernel: kernel.9.cloned.1.call-start
scs
__scs_entry_jumppad:
0x0: {  	(pc) =	sbr.rel $0x88, $3  }
0x1: {  	(tag) =	ssettag $0x0;
	lr =	simm.s32 $0x1  }
0x2: {  	[smem:$0x3F98] =	sst lr;
	_ =	strace $0xD0000000  }
0x3: {  	_ = 	snop  }
0x4: {  	_ = 	snop  }
0x5: {  	_ = 	snop  }
0x6: {  	_ = 	snop  }
0x7: {  	_ = 	snop  }
__scs_overlays_trampoline_lowered:
0x8: {  	[smem:$0x3FA7] =	sst s0  }
0x9: {  	[smem:$0x3FA8] =	sst s1  }
0xa: {  	[smem:$0x3FA9] =	sst s2  }
0xb: {  	[smem:$0x3FAA] =	sst s3  }
0xc: {  	[smem:$0x3FAB] =	sst s4  }
0xd: {  	[smem:$0x3FAC] =	sst s5  }
0xe: {  	[smem:$0x3FAD] =	sst s6  }
0xf: {  	[smem:$0x3FAE] =	sst s7  }
0x10: {  	[smem:$0x3FAF] =	sst s8  }
0x11: {  	[smem:$0x3FB0] =	sst s9;
	s0 =	simm.s32 @!p0 $0x0  }
0x12: {  	s1 =	sld [smem:$0x3F96];
	s0 =	simm.s32 @p0 $0x1  }
0x13: {  	[smem:$0x3FB1] =	sst s0;
	s0 =	simm.s32 @!p1 $0x0  }
0x14: {  	s2 =	sld [smem:$0x3F95];
	s0 =	simm.s32 @p1 $0x1  }
0x15: {  	[smem:$0x3FB2] =	sst s0;
	s0 =	simm.s32 @!p2 $0x0  }
0x16: {  	s3 =	sld [smem:$0x3FDB];
	s0 =	simm.s32 @p2 $0x1  }
0x17: {  	s4 =	simm.s32 $0x1BF5;
	[smem:$0x3FB4] =	sst s0  }
0x18: {  	s0 =	sld [smem:$0x3F97];
	_ =	swait.ge [sflag:s4], $0x0  }
0x19: {  	s7 =	sld [smem:$0x3F98]  }
0x1a: {  	s8 =	sadd.s32 $0xFFFFE003, lr  }
0x1b: {  	s9 =	sadd.s32 $0xFFFFFEF7, lr;
	s5 =	simm.s32 $0xFFFFFFFF;
	p2 =	slt.u32 s8, $0xFFFFF086  }
0x1c: {  	p1 =	slt.u32 s9, $0xF7A;
	s5 =	simm.s32 @!p2 $0x0  }
0x1d: {  	s5 =	simm.s32 @p1 $0x1;
	p0 =	seq.s32 s7, s2  }
0x1e: {  	s7 =	smul.u32 @!p0 $0xF7A, s2;
	p2 =	seq.s32 @!p0 s5, $0x0  }
0x1f: {  	s9 =	smul.u32 $0xF7A, s1;
	s8 =	simm.s32 @!p0 $0x1BF5;
	p2 =	por !p2, p0  }
0x20: {  	[sflag:s8] =	ssyncset.s32 @!p0 $0xFFFFF086;
	s6 =	sadd.s32 @!p0 s3, s7;
	s7 =	simm.s32 @!p0 $0x108  }
0x21: {  	s3 =	sadd.s32 s3, s9;
	s6 =	sadd.s32 @!p0 $0x88, s6;
	s7 =	simm.s32 @p2 $0x1082  }
0x22: {  	[simem:s7], [sflag:s8] =	dma.local @!p0 [hbm:s6], $0xF7A  }
0x23: {  	s9 =	sor.u32 $0xD0000000, s2;
	s6 =	simm.s32 $0x108;
	_ =	swait.ge @!p0 [sflag:s8], $0x0  }
0x24: {  	s3 =	sadd.s32 $0x88, s3;
	s6 =	simm.s32 @!p1 $0x1082;
	[sflag:s4] =	ssyncset.s32 $0xFFFFF086  }
0x25: {  	[simem:s6], [sflag:s4] =	dma.local [hbm:s3], $0xF7A  }
0x26: {  	[smem:$0x3F98] =	sst s1;
	(tag) =	ssettag s2;
	_ =	strace s9  }
0x27: {  	s1 =	sld [smem:$0x3FA8]  }
0x28: {  	s2 =	sld [smem:$0x3FA9]  }
0x29: {  	s4 =	sld [smem:$0x3FAB]  }
0x2a: {  	p0 =	seq.s32 s5, $0x0;
	s5 =	sld [smem:$0x3FAC]  }
0x2b: {  	s6 =	sld [smem:$0x3FAD]  }
0x2c: {  	s7 =	sld [smem:$0x3FAE]  }
0x2d: {  	s3 =	simm.s32 $0x108;
	s8 =	sld [smem:$0x3FAF]  }
0x2e: {  	s3 =	simm.s32 @!p0 $0x1082;
	s9 =	sld [smem:$0x3FB0]  }
0x2f: {  	lr =	sadd.s32 s0, s3;
	s0 =	sld [smem:$0x3FA7]  }
0x30: {  	s3 =	sld [smem:$0x3FAA]  }
0x31: {  	[smem:$0x3FB3] =	sst s10  }
0x32: {  	s10 =	sld [smem:$0x3FB1];
	_ =	sdelay $0x3  }
0x33: {  	p0 =	seq.s32 s10, $0x1;
	s10 =	sld [smem:$0x3FB3];
	_ =	sdelay $0x3  }
0x34: {  	[smem:$0x3FB3] =	sst s10  }
0x35: {  	s10 =	sld [smem:$0x3FB2];
	_ =	sdelay $0x3  }
0x36: {  	p1 =	seq.s32 s10, $0x1;
	s10 =	sld [smem:$0x3FB3];
	_ =	sdelay $0x3  }
0x37: {  	[smem:$0x3FB3] =	sst s10  }
0x38: {  	s10 =	sld [smem:$0x3FB4]  }
0x39: {  	_ = 	snop;
	(pc) =	sbr.ind lr, $3  }
0x3a: {  	_ = 	snop  }
0x3b: {  	_ = 	snop  }
0x3c: {  	p2 =	seq.s32 s10, $0x1;
	s10 =	sld [smem:$0x3FB3]  }
0x3d: {  	_ =	shalt  }
0x3e: {  	_ =	shalt  }
0x3f: {  	_ =	shalt  }
0x40: {  	_ =	shalt  }
0x41: {  	_ =	shalt  }
0x42: {  	_ =	shalt  }
0x43: {  	_ =	shalt  }
0x44: {  	_ =	shalt  }
0x45: {  	_ =	shalt  }
0x46: {  	_ =	shalt  }
0x47: {  	_ =	shalt  }
0x48: {  	_ =	shalt  }
0x49: {  	_ =	shalt  }
0x4a: {  	_ =	shalt  }
0x4b: {  	_ =	shalt  }
0x4c: {  	_ =	shalt  }
0x4d: {  	_ =	shalt  }
0x4e: {  	_ =	shalt  }
0x4f: {  	_ =	shalt  }
0x50: {  	_ =	shalt  }
0x51: {  	_ =	shalt  }
0x52: {  	_ =	shalt  }
0x53: {  	_ =	shalt  }
0x54: {  	_ =	shalt  }
0x55: {  	_ =	shalt  }
0x56: {  	_ =	shalt  }
0x57: {  	_ =	shalt  }
0x58: {  	_ =	shalt  }
0x59: {  	_ =	shalt  }
0x5a: {  	_ =	shalt  }
0x5b: {  	_ =	shalt  }
0x5c: {  	_ =	shalt  }
0x5d: {  	_ =	shalt  }
0x5e: {  	_ =	shalt  }
0x5f: {  	_ =	shalt  }
0x60: {  	_ =	shalt  }
0x61: {  	_ =	shalt  }
0x62: {  	_ =	shalt  }
0x63: {  	_ =	shalt  }
0x64: {  	_ =	shalt  }
0x65: {  	_ =	shalt  }
0x66: {  	_ =	shalt  }
0x67: {  	_ =	shalt  }
0x68: {  	_ =	shalt  }
0x69: {  	_ =	shalt  }
0x6a: {  	_ =	shalt  }
0x6b: {  	_ =	shalt  }
0x6c: {  	_ =	shalt  }
0x6d: {  	_ =	shalt  }
0x6e: {  	_ =	shalt  }
0x6f: {  	_ =	shalt  }
0x70: {  	_ =	shalt  }
0x71: {  	_ =	shalt  }
0x72: {  	_ =	shalt  }
0x73: {  	_ =	shalt  }
0x74: {  	_ =	shalt  }
0x75: {  	_ =	shalt  }
0x76: {  	_ =	shalt  }
0x77: {  	_ =	shalt  }
0x78: {  	_ =	shalt  }
0x79: {  	_ =	shalt  }
0x7a: {  	_ =	shalt  }
0x7b: {  	_ =	shalt  }
0x7c: {  	_ =	shalt  }
0x7d: {  	_ =	shalt  }
0x7e: {  	_ =	shalt  }
0x7f: {  	_ =	shalt  }
0x80: {  	_ =	shalt  }
0x81: {  	_ =	shalt  }
0x82: {  	_ =	shalt  }
0x83: {  	_ =	shalt  }
0x84: {  	_ =	shalt  }
0x85: {  	_ =	shalt  }
0x86: {  	_ =	shalt  }
0x87: {  	_ =	shalt  }
.Lfunc_end0:
.L_simem_size_0:
called_computation.1_lowered:
.L_overlay_start_0:
0x88: {  	s2 =	sld [smem:$0x3FD9]  }
0x89: {  	s3 =	sld [smem:$0x3FFE];
	_ =	sdelay $0x1  }
0x8a: {  	s1 =	srdreg.scid  }
0x8b: {  	s0 =	sand.u32 $0x1, s1  }
0x8c: {  	s17 =	sshll.u32 s0, $0xA;
	s2 =	sadd.s32 s3, s2  }
0x8d: {  	s2 =	sadd.s32 s2, s17  }
0x8e: {  	[smem:$0x3FBF] =	sst s2  }
0x8f: {  	_ = 	snop  }
0x90: {  	s2 =	sld [smem:$0x3FD0];
	(tm) =	ssettm $0x1  }
0x91: {  	s18 =	sld [smem:$0x3FFB];
	_ =	sdelay $0x3  }
0x92: {  	_ =	strace s18  }
0x93: {  	s3 =	sld [smem:$0x3FFC];
	_ =	sdelay $0x3  }
0x94: {  	_ =	strace s3  }
0x95: {  	s3 =	sld [smem:$0x3FFD];
	_ =	sdelay $0x3  }
0x96: {  	_ =	strace s3  }
0x97: {  	_ =	strace $0x8FFFFFFF  }
0x98: {  	s19 =	sld [smem:$0x3FDB];
	_ =	sdelay $0x1  }
0x99: {  	s4 =	simm.s32 $_scs_section_size  }
0x9a: {  	s5 =	simm.s32 $_size__tile_overlayer_lowered;
	s6 =	simm.s32 $_tile_overlayer_lowered  }
0x9b: {  	s22 =	simm.s32 $0x1BFF;
	s21 =	sshll.u32 s6, $0x1;
	s3 =	sadd.s32 s4, s19  }
0x9c: {  	s7 =	simm.s32 $0x0;
	s20 =	sshll.u32 s5, $0x1;
	s5 =	sadd.s32 s21, s3  }
0x9d: {  	[timem:s7], [sflag:s22] =	dma.local [hbm:s5], s20  }
0x9e: {  	_ =	swait.ge [sflag:s22], s20  }
0x9f: {  	s4 =	ssub.s32 $0x0, s20;
	[sflag:s22] =	ssyncset.done $0x0  }
0xa0: {  	[sflag:s22] =	ssyncadd.s32 s4;
	_ =	sdelay $0x1  }
0xa1: {  	s23 =	simm.s32 $0x1B8B  }
0xa2: {  	_ =	swait.ge [sflag:s23], $0x1  }
0xa3: {  	[sflag:s23] =	ssyncset.done $0x0  }
0xa4: {  	s25 =	simm.s32 $0x1B8E;
	s24 =	sld [smem:$0x3FFE];
	[sflag:s23] =	ssyncadd.s32 $0xFFFFFFFF  }
0xa5: {  	s26 =	simm.s32 $execute0_lowered;
	[smem:$0x3FD2] =	sst s25  }
0xa6: {  	s5 =	sshll.u32 s26, $0x1;
	_ =	strace $0x80000049;
	[dreg:$0x1] =	wrdreg $0xFFFFFFFF  }
0xa7: {  	s28 =	simm.s32 $_size_execute0_lowered;
	s3 =	sadd.s32 s3, s5;
	[dreg:$0x0] =	wrdreg $0x0  }
0xa8: {  	s5 =	sshll.u32 s28, $0x1;
	[dreg:$0x2] =	wrdreg s3  }
0xa9: {  	[dreg:$0x3] =	wrdreg s5  }
0xaa: {  	[dreg:$0x4] =	wrdreg $0xC0  }
0xab: {  	_ =	task [dreg:s7], $0x5FFFF  }
0xac: {  	[dreg:$0x1] =	wrdreg $0xFFFFFFFF  }
0xad: {  	[dreg:$0x0] =	wrdreg $0x60  }
0xae: {  	[dreg:$0x2] =	wrdreg s2  }
0xaf: {  	[dreg:$0x3] =	wrdreg s24  }
0xb0: {  	[dreg:$0x4] =	wrdreg $0x137000  }
0xb1: {  	[dreg:$0x5] =	wrdreg $0x157000  }
0xb2: {  	[dreg:$0x6] =	wrdreg $0x9  }
0xb3: {  	_ =	task.clear_ibuf [dreg:s7], $0x7FFFF;
	_ =	strace $0x90000049  }
0xb4: {  	s29 =	simm.s32 $0x9;
	_ =	strace $0x8000004B  }
0xb5: {  	_ =	swait.ge [sflag:s29], $0x1  }
0xb6: {  	[sflag:s29] =	ssyncadd.s32 $0xFFFFFFFF  }
0xb7: {  	_ =	strace $0x9000004B  }
0xb8: {  	_ =	sfence  }
0xb9: {  	s30 =	sld [smem:$0x0];
	_ =	sdelay $0x2  }
0xba: {  	s31 =	sshll.u32 s1, $0xD;
	s1 =	sshrl.u32 s1, $0x2  }
0xbb: {  	s3 =	sand.u32 $0x4000, s31;
	s1 =	sadd.s32 s1, s30  }
0xbc: {  	s0 =	sor.u32 s3, s0;
	s1 =	sshll.u32 s1, $0x11  }
0xbd: {  	s0 =	sor.u32 s1, s0  }
0xbe: {  	s0 =	sadd.s32 $0x8F2B, s0  }
0xbf: {  	[sflag:s0] =	ssyncadd.remote.s32 $0x1  }
0xc0: {  	_ =	sfence.sel $0xFFFF  }
0xc1: {  	[dreg:$0x0] =	wrdreg $0xFFFFFFFF;
	(pc) =	sbr.abs _section_cstart, $3  }
0xc2: {  	[dreg:$0x1] =	wrdreg $0xFFFFFFFF  }
0xc3: {  	_ =	task.clear_ibuf [dreg:s7], $0x2FFFF;
	_ =	strace $0x9FFFFFFF  }
0xc4: {  	(tm) =	ssettm $0x7FFFFFFF  }
0xc5: {  	_ =	shalt  }
tec
execute0_lowered:
.L_overlay_start_1:
0x0: {  	(tag) =	ssettag $0x1  }
0x1: {  	s1 =	rddreg [dreg:$0x0]  }
0x2: {  	s0 =	rddreg [dreg:$0x1]  }
0x3: {  	s2 =	rddreg [dreg:$0x2]  }
0x4: {  	s4 =	rddreg [dreg:$0x3];
	s5 =	simm.s32 $0x0  }
0x5: {  	s3 =	srdreg.scid;
	s7 =	stileid.u32;
	s13 =	simm.s32 $0x11700  }
0x6: {  	s14 =	simm.s32 $0x2;
	s15 =	simm.s32 $0x80;
	s16 =	simm.s32 $0x100  }
0x7: {  	s17 =	simm.s32 $0xB80;
	s18 =	simm.s32 $0x1700;
	s19 =	simm.s32 $0x9700  }
0x8: {  	s20 =	simm.s32 $0x1;
	s21 =	simm.s32 $0xC80;
	s23 =	simm.s32 $0xD80  }
0x9: {  	s25 =	simm.s32 $0xE80;
	s28 =	simm.s32 $0xF80;
	s30 =	simm.s32 $0x1080  }
0xa: {  	s22 =	simm.s32 $0x1280;
	s26 =	simm.s32 $0x1380;
	s31 =	simm.s32 $0x1480  }
0xb: {  	[smem:$0x7FF] =	sst s5;
	s3 =	sand.u32 $0x1, s3;
	s6 =	sshll.u32 s7, $0x1  }
0xc: {  	s7 =	sshll.u32 s7, $0xD;
	s6 =	sor.u32 s3, s6;
	s8 =	sshll.u32 s3, $0x11  }
0xd: {  	s3 =	ssub.s32 $0x2, s3;
	s6 =	smul.u32 $0x280, s6;
	s8 =	sor.u32 s7, s8  }
0xe: {  	_ =	strace $0x8000004A;
	s9 =	sshrl.u32 s3, $0x1;
	s8 =	sshrl.u32 s8, $0x3  }
0xf: {  	s3 =	ssub.s32 s3, s9;
	s10 =	sadd.s32 s6, s0;
	s0 =	sadd.s32 s8, s0  }
0x10: {  	s6 =	sadd.s32 s7, s2;
	s7 =	sadd.s32 s7, s4;
	s12 =	smax.u32 s3, $0x1  }
0x11: {  	s3 =	simm.s32 $0x0;
	s8 =	sadd.s32 $0x26C00, s10;
	s9 =	sadd.s32 $0x26C10, s10  }
0x12: {  	v0 =	vimm.f32 $0.0e+00;
	v1 =	vimm.f32 $1.000000000e+00;
	s10 =	sadd.s32 $0x2C00, s0;
	s11 =	sadd.s32 $0xAC00, s0;
	s0 =	simm.s32 $0x1180  }
.LBB2_1:
0x13: {  	s24 =	simm.s32 $0x0;
	s29 =	simm.s32 $0x200  }
.LBB2_2:
0x14: {  	p0 =	sne.s32 s29, $0x7E00;
	[tilespmem:s24+$0x11770] =	vst v0  }
0x15: {  	[tilespmem:s24+$0x11700] =	vst v0  }
0x16: {  	[tilespmem:s24+$0x11710] =	vst v0  }
.Ltmp0:
0x17: {  	[tilespmem:s24+$0x11720] =	vst v0;
	(pc) =	sbr.rel @p0 .LBB2_2-.Ltmp0, $4  }
0x18: {  	[tilespmem:s24+$0x11730] =	vst v0  }
0x19: {  	[tilespmem:s24+$0x11740] =	vst v0  }
0x1a: {  	[tilespmem:s24+$0x11750] =	vst v0  }
0x1b: {  	[tilespmem:s24+$0x11760] =	vst v0;
	s24 =	sshra.s32 s29, $0x2;
	s29 =	sadd.s32 $0x200, s29  }
0x1c: {  	[tilespmem:s24+$0x11770] =	vst v0  }
0x1d: {  	[tilespmem:s24+$0x11700] =	vst v0  }
0x1e: {  	[tilespmem:s24+$0x11710] =	vst v0  }
0x1f: {  	[tilespmem:s24+$0x11720] =	vst v0  }
0x20: {  	[tilespmem:s24+$0x11730] =	vst v0  }
0x21: {  	[tilespmem:s24+$0x11740] =	vst v0  }
0x22: {  	[tilespmem:s24+$0x11750] =	vst v0  }
0x23: {  	[tilespmem:s24+$0x11760] =	vst v0  }
0x24: {  	[spmem:s6] =	stream.linear.scatter [tilespmem:s13], [sflag:$0x2], $0x2000, $0x38;
	[tilespmem:$0x17700] =	vst v63  }
0x25: {  	_ =	swait.ge [sflag:s14], $0x2000  }
0x26: {  	[sflag:s14] =	ssyncset.done $0x0  }
0x27: {  	[sflag:s14] =	ssyncadd.s32 $0xFFFFE000  }
0x28: {  	[spmem:s7] =	stream.linear.scatter [tilespmem:s13], [sflag:$0x2], $0x2000, $0x38;
	[tilespmem:$0x17700] =	vst v63  }
0x29: {  	_ =	swait.ge [sflag:s14], $0x2000  }
0x2a: {  	[sflag:s14] =	ssyncset.done $0x0  }
0x2b: {  	s24 =	simm.s32 $0x0;
	s29 =	simm.s32 $0x200;
	[sflag:s14] =	ssyncadd.s32 $0xFFFFE000  }
.LBB2_4:
0x2c: {  	p0 =	sne.s32 s29, $0x1FE00;
	[tilespmem:s24+$0x9770] =	vst v1  }
0x2d: {  	[tilespmem:s24+$0x9700] =	vst v1  }
0x2e: {  	[tilespmem:s24+$0x9710] =	vst v1  }
.Ltmp1:
0x2f: {  	[tilespmem:s24+$0x9720] =	vst v1;
	(pc) =	sbr.rel @p0 .LBB2_4-.Ltmp1, $4  }
0x30: {  	[tilespmem:s24+$0x9730] =	vst v1  }
0x31: {  	[tilespmem:s24+$0x9740] =	vst v1  }
0x32: {  	[tilespmem:s24+$0x9750] =	vst v1  }
0x33: {  	[tilespmem:s24+$0x9760] =	vst v1;
	s24 =	sshra.s32 s29, $0x2;
	s29 =	sadd.s32 $0x200, s29  }
0x34: {  	[tilespmem:s24+$0x9770] =	vst v1  }
0x35: {  	[tilespmem:s24+$0x9700] =	vst v1  }
0x36: {  	[tilespmem:s24+$0x9710] =	vst v1  }
0x37: {  	[tilespmem:s24+$0x9720] =	vst v1  }
0x38: {  	[tilespmem:s24+$0x9730] =	vst v1  }
0x39: {  	[tilespmem:s24+$0x9740] =	vst v1  }
0x3a: {  	[tilespmem:s24+$0x9750] =	vst v1  }
0x3b: {  	[tilespmem:s24+$0x9760] =	vst v1  }
0x3c: {  	[tilespmem:s5], [sflag:$0x2] =	stream.strided.gather [hbm4b:s8+s15], $0xA00, s16, s15, $0x38;
	[tilespmem:$0x17700] =	vst v63  }
0x3d: {  	_ =	swait.ge [sflag:s14], $0xA00  }
0x3e: {  	[sflag:s14] =	ssyncset.done $0x0  }
0x3f: {  	[sflag:s14] =	ssyncadd.s32 $0xFFFFF600  }
0x40: {  	[tilespmem:s17], [sflag:$0x2] =	stream.strided.gather [hbm4b:s9+s15], $0xA00, s16, s15, $0x38;
	[tilespmem:$0x17700] =	vst v63  }
0x41: {  	_ =	swait.ge [sflag:s14], $0xA00  }
0x42: {  	[sflag:s14] =	ssyncset.done $0x0  }
0x43: {  	[sflag:s14] =	ssyncadd.s32 $0xFFFFF600  }
0x44: {  	[bflag:$0x0] =	sbarrier.arrive $0xFFFF  }
0x45: {  	[tilespmem:s18], [sflag:$0x1] =	stream.indirect.gather [hbm4b:s1+s16], $0x80, s5, s16, $0xb8;
	[tilespmem:$0x17700] =	vst v63  }
0x46: {  	_ = 	snop  }
0x47: {  	[spmem:s4] =	stream.indirect.scatter.add.f32 [tilespmem:s19], [sflag:$0x2], $0x80, s17, s16, $0xb8;
	[tilespmem:$0x17700] =	vst v63  }
0x48: {  	_ =	swait.ge [sflag:s14], $0x8000  }
0x49: {  	[sflag:s14] =	ssyncset.done $0x0  }
0x4a: {  	[sflag:s14] =	ssyncadd.s32 $0xFFFF8000  }
0x4b: {  	_ =	swait.ge [sflag:s20], $0x8000  }
0x4c: {  	[sflag:s20] =	ssyncset.done $0x0  }
0x4d: {  	[sflag:s20] =	ssyncadd.s32 $0xFFFF8000  }
0x4e: {  	[spmem:s2] =	stream.indirect.scatter.add.f32 [tilespmem:s18], [sflag:$0x2], $0x80, s17, s16, $0xb8;
	[tilespmem:$0x17700] =	vst v63  }
0x4f: {  	_ =	swait.ge [sflag:s14], $0x8000  }
0x50: {  	[sflag:s14] =	ssyncset.done $0x0  }
0x51: {  	[sflag:s14] =	ssyncadd.s32 $0xFFFF8000  }
0x52: {  	[tilespmem:s18], [sflag:$0x1] =	stream.indirect.gather [hbm4b:s1+s16], $0x80, s16, s16, $0xb8;
	[tilespmem:$0x17700] =	vst v63  }
0x53: {  	_ = 	snop  }
0x54: {  	[spmem:s4] =	stream.indirect.scatter.add.f32 [tilespmem:s19], [sflag:$0x2], $0x80, s21, s16, $0xb8;
	[tilespmem:$0x17700] =	vst v63  }
0x55: {  	_ =	swait.ge [sflag:s14], $0x8000  }
0x56: {  	[sflag:s14] =	ssyncset.done $0x0  }
0x57: {  	[sflag:s14] =	ssyncadd.s32 $0xFFFF8000  }
0x58: {  	_ =	swait.ge [sflag:s20], $0x8000  }
0x59: {  	[sflag:s20] =	ssyncset.done $0x0  }
0x5a: {  	[sflag:s20] =	ssyncadd.s32 $0xFFFF8000  }
0x5b: {  	[spmem:s2] =	stream.indirect.scatter.add.f32 [tilespmem:s18], [sflag:$0x2], $0x80, s21, s16, $0xb8;
	[tilespmem:$0x17700] =	vst v63  }
0x5c: {  	_ =	swait.ge [sflag:s14], $0x8000  }
0x5d: {  	[sflag:s14] =	ssyncset.done $0x0  }
0x5e: {  	s29 =	simm.s32 $0x200;
	[sflag:s14] =	ssyncadd.s32 $0xFFFF8000  }
0x5f: {  	[tilespmem:s18], [sflag:$0x1] =	stream.indirect.gather [hbm4b:s1+s16], $0x80, s29, s16, $0xb8;
	[tilespmem:$0x17700] =	vst v63  }
0x60: {  	_ = 	snop  }
0x61: {  	[spmem:s4] =	stream.indirect.scatter.add.f32 [tilespmem:s19], [sflag:$0x2], $0x80, s23, s16, $0xb8;
	[tilespmem:$0x17700] =	vst v63  }
0x62: {  	_ =	swait.ge [sflag:s14], $0x8000  }
0x63: {  	[sflag:s14] =	ssyncset.done $0x0  }
0x64: {  	[sflag:s14] =	ssyncadd.s32 $0xFFFF8000  }
0x65: {  	_ =	swait.ge [sflag:s20], $0x8000  }
0x66: {  	[sflag:s20] =	ssyncset.done $0x0  }
0x67: {  	[sflag:s20] =	ssyncadd.s32 $0xFFFF8000  }
0x68: {  	[spmem:s2] =	stream.indirect.scatter.add.f32 [tilespmem:s18], [sflag:$0x2], $0x80, s23, s16, $0xb8;
	[tilespmem:$0x17700] =	vst v63  }
0x69: {  	_ =	swait.ge [sflag:s14], $0x8000  }
0x6a: {  	[sflag:s14] =	ssyncset.done $0x0  }
0x6b: {  	s29 =	simm.s32 $0x300;
	[sflag:s14] =	ssyncadd.s32 $0xFFFF8000  }
0x6c: {  	[tilespmem:s18], [sflag:$0x1] =	stream.indirect.gather [hbm4b:s1+s16], $0x80, s29, s16, $0xb8;
	[tilespmem:$0x17700] =	vst v63  }
0x6d: {  	_ = 	snop  }
0x6e: {  	[spmem:s4] =	stream.indirect.scatter.add.f32 [tilespmem:s19], [sflag:$0x2], $0x80, s25, s16, $0xb8;
	[tilespmem:$0x17700] =	vst v63  }
0x6f: {  	_ =	swait.ge [sflag:s14], $0x8000  }
0x70: {  	[sflag:s14] =	ssyncset.done $0x0  }
0x71: {  	[sflag:s14] =	ssyncadd.s32 $0xFFFF8000  }
0x72: {  	_ =	swait.ge [sflag:s20], $0x8000  }
0x73: {  	[sflag:s20] =	ssyncset.done $0x0  }
0x74: {  	[sflag:s20] =	ssyncadd.s32 $0xFFFF8000  }
0x75: {  	[spmem:s2] =	stream.indirect.scatter.add.f32 [tilespmem:s18], [sflag:$0x2], $0x80, s25, s16, $0xb8;
	[tilespmem:$0x17700] =	vst v63  }
0x76: {  	_ =	swait.ge [sflag:s14], $0x8000  }
0x77: {  	[sflag:s14] =	ssyncset.done $0x0  }
0x78: {  	s29 =	simm.s32 $0x400;
	[sflag:s14] =	ssyncadd.s32 $0xFFFF8000  }
0x79: {  	[tilespmem:s18], [sflag:$0x1] =	stream.indirect.gather [hbm4b:s1+s16], $0x80, s29, s16, $0xb8;
	[tilespmem:$0x17700] =	vst v63  }
0x7a: {  	_ = 	snop  }
0x7b: {  	[spmem:s4] =	stream.indirect.scatter.add.f32 [tilespmem:s19], [sflag:$0x2], $0x80, s28, s16, $0xb8;
	[tilespmem:$0x17700] =	vst v63  }
0x7c: {  	_ =	swait.ge [sflag:s14], $0x8000  }
0x7d: {  	[sflag:s14] =	ssyncset.done $0x0  }
0x7e: {  	[sflag:s14] =	ssyncadd.s32 $0xFFFF8000  }
0x7f: {  	_ =	swait.ge [sflag:s20], $0x8000  }
0x80: {  	[sflag:s20] =	ssyncset.done $0x0  }
0x81: {  	[sflag:s20] =	ssyncadd.s32 $0xFFFF8000  }
0x82: {  	[spmem:s2] =	stream.indirect.scatter.add.f32 [tilespmem:s18], [sflag:$0x2], $0x80, s28, s16, $0xb8;
	[tilespmem:$0x17700] =	vst v63  }
0x83: {  	_ =	swait.ge [sflag:s14], $0x8000  }
0x84: {  	[sflag:s14] =	ssyncset.done $0x0  }
0x85: {  	s29 =	simm.s32 $0x500;
	[sflag:s14] =	ssyncadd.s32 $0xFFFF8000  }
0x86: {  	[tilespmem:s18], [sflag:$0x1] =	stream.indirect.gather [hbm4b:s1+s16], $0x80, s29, s16, $0xb8;
	[tilespmem:$0x17700] =	vst v63  }
0x87: {  	_ = 	snop  }
0x88: {  	[spmem:s4] =	stream.indirect.scatter.add.f32 [tilespmem:s19], [sflag:$0x2], $0x80, s30, s16, $0xb8;
	[tilespmem:$0x17700] =	vst v63  }
0x89: {  	_ =	swait.ge [sflag:s14], $0x8000  }
0x8a: {  	[sflag:s14] =	ssyncset.done $0x0  }
0x8b: {  	[sflag:s14] =	ssyncadd.s32 $0xFFFF8000  }
0x8c: {  	_ =	swait.ge [sflag:s20], $0x8000  }
0x8d: {  	[sflag:s20] =	ssyncset.done $0x0  }
0x8e: {  	[sflag:s20] =	ssyncadd.s32 $0xFFFF8000  }
0x8f: {  	[spmem:s2] =	stream.indirect.scatter.add.f32 [tilespmem:s18], [sflag:$0x2], $0x80, s30, s16, $0xb8;
	[tilespmem:$0x17700] =	vst v63  }
0x90: {  	_ =	swait.ge [sflag:s14], $0x8000  }
0x91: {  	[sflag:s14] =	ssyncset.done $0x0  }
0x92: {  	s29 =	simm.s32 $0x600;
	[sflag:s14] =	ssyncadd.s32 $0xFFFF8000  }
0x93: {  	[tilespmem:s18], [sflag:$0x1] =	stream.indirect.gather [hbm4b:s1+s16], $0x80, s29, s16, $0xb8;
	[tilespmem:$0x17700] =	vst v63  }
0x94: {  	_ = 	snop  }
0x95: {  	[spmem:s4] =	stream.indirect.scatter.add.f32 [tilespmem:s19], [sflag:$0x2], $0x80, s0, s16, $0xb8;
	[tilespmem:$0x17700] =	vst v63  }
0x96: {  	_ =	swait.ge [sflag:s14], $0x8000  }
0x97: {  	[sflag:s14] =	ssyncset.done $0x0  }
0x98: {  	[sflag:s14] =	ssyncadd.s32 $0xFFFF8000  }
0x99: {  	_ =	swait.ge [sflag:s20], $0x8000  }
0x9a: {  	[sflag:s20] =	ssyncset.done $0x0  }
0x9b: {  	[sflag:s20] =	ssyncadd.s32 $0xFFFF8000  }
0x9c: {  	[spmem:s2] =	stream.indirect.scatter.add.f32 [tilespmem:s18], [sflag:$0x2], $0x80, s0, s16, $0xb8;
	[tilespmem:$0x17700] =	vst v63  }
0x9d: {  	_ =	swait.ge [sflag:s14], $0x8000  }
0x9e: {  	[sflag:s14] =	ssyncset.done $0x0  }
0x9f: {  	s29 =	simm.s32 $0x700;
	[sflag:s14] =	ssyncadd.s32 $0xFFFF8000  }
0xa0: {  	[tilespmem:s18], [sflag:$0x1] =	stream.indirect.gather [hbm4b:s1+s16], $0x80, s29, s16, $0xb8;
	[tilespmem:$0x17700] =	vst v63  }
0xa1: {  	_ = 	snop  }
0xa2: {  	[spmem:s4] =	stream.indirect.scatter.add.f32 [tilespmem:s19], [sflag:$0x2], $0x80, s22, s16, $0xb8;
	[tilespmem:$0x17700] =	vst v63  }
0xa3: {  	_ =	swait.ge [sflag:s14], $0x8000  }
0xa4: {  	[sflag:s14] =	ssyncset.done $0x0  }
0xa5: {  	[sflag:s14] =	ssyncadd.s32 $0xFFFF8000  }
0xa6: {  	_ =	swait.ge [sflag:s20], $0x8000  }
0xa7: {  	[sflag:s20] =	ssyncset.done $0x0  }
0xa8: {  	[sflag:s20] =	ssyncadd.s32 $0xFFFF8000  }
0xa9: {  	[spmem:s2] =	stream.indirect.scatter.add.f32 [tilespmem:s18], [sflag:$0x2], $0x80, s22, s16, $0xb8;
	[tilespmem:$0x17700] =	vst v63  }
0xaa: {  	_ =	swait.ge [sflag:s14], $0x8000  }
0xab: {  	[sflag:s14] =	ssyncset.done $0x0  }
0xac: {  	s29 =	simm.s32 $0x800;
	[sflag:s14] =	ssyncadd.s32 $0xFFFF8000  }
0xad: {  	[tilespmem:s18], [sflag:$0x1] =	stream.indirect.gather [hbm4b:s1+s16], $0x80, s29, s16, $0xb8;
	[tilespmem:$0x17700] =	vst v63  }
0xae: {  	_ = 	snop  }
0xaf: {  	[spmem:s4] =	stream.indirect.scatter.add.f32 [tilespmem:s19], [sflag:$0x2], $0x80, s26, s16, $0xb8;
	[tilespmem:$0x17700] =	vst v63  }
0xb0: {  	_ =	swait.ge [sflag:s14], $0x8000  }
0xb1: {  	[sflag:s14] =	ssyncset.done $0x0  }
0xb2: {  	[sflag:s14] =	ssyncadd.s32 $0xFFFF8000  }
0xb3: {  	_ =	swait.ge [sflag:s20], $0x8000  }
0xb4: {  	[sflag:s20] =	ssyncset.done $0x0  }
0xb5: {  	[sflag:s20] =	ssyncadd.s32 $0xFFFF8000  }
0xb6: {  	[spmem:s2] =	stream.indirect.scatter.add.f32 [tilespmem:s18], [sflag:$0x2], $0x80, s26, s16, $0xb8;
	[tilespmem:$0x17700] =	vst v63  }
0xb7: {  	_ =	swait.ge [sflag:s14], $0x8000  }
0xb8: {  	[sflag:s14] =	ssyncset.done $0x0  }
0xb9: {  	s29 =	simm.s32 $0x900;
	[sflag:s14] =	ssyncadd.s32 $0xFFFF8000  }
0xba: {  	[tilespmem:s18], [sflag:$0x1] =	stream.indirect.gather [hbm4b:s1+s16], $0x80, s29, s16, $0xb8;
	[tilespmem:$0x17700] =	vst v63  }
0xbb: {  	_ = 	snop  }
0xbc: {  	[spmem:s4] =	stream.indirect.scatter.add.f32 [tilespmem:s19], [sflag:$0x2], $0x80, s31, s16, $0xb8;
	[tilespmem:$0x17700] =	vst v63  }
0xbd: {  	_ =	swait.ge [sflag:s14], $0x8000  }
0xbe: {  	[sflag:s14] =	ssyncset.done $0x0  }
0xbf: {  	[sflag:s14] =	ssyncadd.s32 $0xFFFF8000  }
0xc0: {  	_ =	swait.ge [sflag:s20], $0x8000  }
0xc1: {  	[sflag:s20] =	ssyncset.done $0x0  }
0xc2: {  	[sflag:s20] =	ssyncadd.s32 $0xFFFF8000  }
0xc3: {  	[spmem:s2] =	stream.indirect.scatter.add.f32 [tilespmem:s18], [sflag:$0x2], $0x80, s31, s16, $0xb8;
	[tilespmem:$0x17700] =	vst v63  }
0xc4: {  	_ =	swait.ge [sflag:s14], $0x8000  }
0xc5: {  	[sflag:s14] =	ssyncset.done $0x0  }
0xc6: {  	[sflag:s14] =	ssyncadd.s32 $0xFFFF8000  }
0xc7: {  	[bflag:$0x0] =	sbarrier.arrive $0xFFFF  }
0xc8: {  	[tilespmem:s13], [sflag:$0x2] =	stream.linear.gather [spmem:s6], $0x2000, $0x38;
	[tilespmem:$0x17700] =	vst v63  }
0xc9: {  	_ =	swait.ge [sflag:s14], $0x2000  }
0xca: {  	[sflag:s14] =	ssyncset.done $0x0  }
0xcb: {  	[sflag:s14] =	ssyncadd.s32 $0xFFFFE000  }
0xcc: {  	[hbm4b:s10+s5] =	stream.linear.scatter [tilespmem:s13], [sflag:$0x2], $0x2000, $0x38;
	[tilespmem:$0x17700] =	vst v63  }
0xcd: {  	_ =	swait.ge [sflag:s14], $0x2000  }
0xce: {  	[sflag:s14] =	ssyncset.done $0x0  }
0xcf: {  	[sflag:s14] =	ssyncadd.s32 $0xFFFFE000  }
0xd0: {  	[tilespmem:s13], [sflag:$0x2] =	stream.linear.gather [spmem:s7], $0x2000, $0x38;
	[tilespmem:$0x17700] =	vst v63  }
0xd1: {  	s3 =	sadd.s32 $0x1, s3;
	_ =	swait.ge [sflag:s14], $0x2000  }
0xd2: {  	p0 =	sne.s32 s3, s12;
	[sflag:s14] =	ssyncset.done $0x0  }
.Ltmp2:
0xd3: {  	[sflag:s14] =	ssyncadd.s32 $0xFFFFE000;
	(pc) =	sbr.rel @p0 .LBB2_1-.Ltmp2, $4  }
0xd4: {  	[hbm4b:s11+s5] =	stream.linear.scatter [tilespmem:s13], [sflag:$0x2], $0x2000, $0x38;
	[tilespmem:$0x17700] =	vst v63  }
0xd5: {  	_ =	swait.ge [sflag:s14], $0x2000  }
0xd6: {  	[sflag:s14] =	ssyncset.done $0x0  }
0xd7: {  	[sflag:s14] =	ssyncadd.s32 $0xFFFFE000  }
0xd8: {  	_ =	sfence.sel $0x180000  }
0xd9: {  	[bflag:$0x0] =	sbarrier.arrive $0xFFFF  }
0xda: {  	_ =	strace $0x9000004A  }
0xdb: {  	s0 =	stileid.u32;
	[bflag:$0x2] =	sbarrier.arrive $0xFFFF  }
0xdc: {  	p0 =	sne.s32 s0, $0x0;
	s0 =	rddreg [dreg:$0x4]  }
0xdd: {  	s0 =	sadd.s32 @!p0 $0x100000, s0  }
0xde: {  	[sflag:s0] =	ssyncadd.tile.s32 @!p0 $0x1;
	_ =	shalt  }
.Lfunc_end2:
_tile_overlayer_lowered:
.L_overlay_start_2:
0xdf: {  	(tag) =	ssettag $0x2  }
0xe0: {  	s0 =	rddreg [dreg:$0x0];
	s2 =	stileid.u32  }
0xe1: {  	s1 =	rddreg [dreg:$0x1];
	p0 =	sne.s32 s2, $0x0  }
0xe2: {  	s3 =	rddreg [dreg:$0x2];
	[bflag:$0x3] =	sbarrier.arrive $0xFFFF;
	s2 =	simm.s32 @!p0 $0x1C02  }
0xe3: {  	[timem:s3], [sflag:s2] =	dma.local @!p0 [hbm:s0], s1  }
0xe4: {  	s0 =	simm.s32 @!p0 $0x2  }
0xe5: {  	_ =	swait.ge @!p0 [sflag:s0], s1  }
0xe6: {  	s1 =	ssub.s32 @!p0 $0x0, s1;
	[sflag:s0] =	ssyncset.done @!p0 $0x0  }
0xe7: {  	[sflag:s0] =	ssyncadd.s32 @!p0 s1  }
0xe8: {  	[bflag:$0x3] =	sbarrier.arrive $0xFFFF  }
0xe9: {  	_ =	shalt  }

</sc_bundles>
